<compile_context>
chip_gen: v7x
topology: tpu7x:2x2x1
jax: 0.10.2.dev20260603
libtpu: 0.0.44.dev20260713+nightly
codegen_flags: <defaults>
</compile_context>

<pallas_src>
import functools

import jax
import jax.numpy as jnp
from jax import lax
from jax.experimental import pallas as pl
from jax.experimental.pallas import tpu as pltpu
from jax.experimental.pallas import tpu_sc as plsc

R = 4096
C = 8192
NC = 2
NS = 16
L = 16
NW = NC * NS
ROWS_PER_W = R // NW
TR = 8
TCW = 128
TW = TR * TCW
NTR = ROWS_PER_W // TR
NCHAIN = TR
CHUNK = TCW
PADTW = 1029
NCHUNK = C // CHUNK
NPAIR = NCHUNK // 2


def _cumsum_body(x_hbm, o_hbm, ia, ib, oa, ob, sia, sib, soa, sob):
    cid = lax.axis_index("c")
    sid = lax.axis_index("s")
    wid = sid * NC + cid
    tr0 = wid * NTR

    lane = lax.iota(jnp.int32, L)

    def in_copy(buf, sem, ch):
        return pltpu.make_async_copy(
            x_hbm.at[pl.ds(tr0, NTR), ch],
            buf.at[:, pl.ds(0, TW)],
            sem,
        )

    def out_copy(buf, sem, ch):
        return pltpu.make_async_copy(
            buf.at[:, pl.ds(0, TW)],
            o_hbm.at[pl.ds(tr0, NTR), ch],
            sem,
        )

    def compute(src, dst, accs):
        def body(c, st):
            accs, col = st
            idx = [col + j * TCW for j in range(NCHAIN)]
            vals = [plsc.load_gather(src, [lane, idx[j]]) for j in range(NCHAIN)]
            new = [accs[j] + vals[j] for j in range(NCHAIN)]
            for j in range(NCHAIN):
                plsc.store_scatter(dst, [lane, idx[j]], new[j])
            return (tuple(new), col + 1)

        st = (accs, jnp.zeros((L,), jnp.int32))
        accs, _ = plsc.parallel_loop(0, CHUNK, carry=st, unroll=2)(body)
        return accs

    in_copy(ia, sia, 0).start()

    def pair(i, accs):
        ka = 2 * i
        in_copy(ia, sia, ka).wait()
        in_copy(ib, sib, ka + 1).start()

        @pl.when(i > 0)
        def _():
            out_copy(oa, soa, ka - 2).wait()

        accs = compute(ia, oa, accs)
        out_copy(oa, soa, ka).start()

        in_copy(ib, sib, ka + 1).wait()

        @pl.when(i < NPAIR - 1)
        def _():
            in_copy(ia, sia, ka + 2).start()

        @pl.when(i > 0)
        def _():
            out_copy(ob, sob, ka - 1).wait()

        accs = compute(ib, ob, accs)
        out_copy(ob, sob, ka + 1).start()
        return accs

    accs = tuple(jnp.zeros((L,), jnp.float32) for _ in range(NCHAIN))
    lax.fori_loop(0, NPAIR, pair, accs)
    out_copy(oa, soa, NCHUNK - 2).wait()
    out_copy(ob, sob, NCHUNK - 1).wait()


def _make_kernel():
    mesh = plsc.VectorSubcoreMesh(core_axis_name="c", subcore_axis_name="s")
    return functools.partial(
        pl.kernel,
        mesh=mesh,
        out_type=jax.ShapeDtypeStruct((R // TR, C // TCW, TW), jnp.float32),
        scratch_types=[
            pltpu.VMEM((NTR, PADTW), jnp.float32),
            pltpu.VMEM((NTR, PADTW), jnp.float32),
            pltpu.VMEM((NTR, PADTW), jnp.float32),
            pltpu.VMEM((NTR, PADTW), jnp.float32),
            pltpu.SemaphoreType.DMA,
            pltpu.SemaphoreType.DMA,
            pltpu.SemaphoreType.DMA,
            pltpu.SemaphoreType.DMA,
        ],
        compiler_params=pltpu.CompilerParams(
            use_tc_tiling_on_sc=False, needs_layout_passes=False
        ),
    )(_cumsum_body)


_sc_cumsum = _make_kernel()


def kernel(x):
    x3 = x.astype(jnp.float32).reshape(R // TR, TR, C // TCW, TCW)
    x3 = x3.transpose(0, 2, 1, 3).reshape(R // TR, C // TCW, TW)
    o3 = _sc_cumsum(x3)
    o4 = o3.reshape(R // TR, C // TCW, TR, TCW).transpose(0, 2, 1, 3)
    return o4.reshape(R, C)

# --- scband reference (transcript-rebuilt; emitter-appended) ---
"""Pipeline reference for scband-model-new-23656679867407 (READ-ONLY COPY).

The authoritative reference and input builder live on the scoring server;
editing this copy changes nothing except your own understanding.
"""

import jax, jax.numpy as jnp
import numpy as np

def setup_inputs(seed: int = 0) -> dict:
    key = jax.random.key(seed)
    x = jax.random.normal(key, (4096, 8192), dtype=jnp.float32)
    return {"x": x}

def reference(x):
    # Cumulative sum along dim=1 (the last dimension), matching the CUDA kernel
    # which computes per-row prefix sums in float32.
    return jnp.cumsum(x.astype(jnp.float32), axis=1)

if __name__ == "__main__":
    import jax
    _d = setup_inputs()
    print(jax.jit(kernel)(*tuple(_d.values())))

</pallas_src>

<mosaic_0001>
#map = affine_map<(d0, d1) -> (0, 0, 0)>
module attributes {stable_mosaic.version = 14 : i64} {
  func.func @_cumsum_body(%arg0: i32, %arg1: i32, %arg2: memref<512x64x1024xf32, #tpu.memory_space<hbm>>, %arg3: memref<512x64x1024xf32, #tpu.memory_space<hbm>>, %arg4: memref<16x1029xf32, #tpu.memory_space<vmem>>, %arg5: memref<16x1029xf32, #tpu.memory_space<vmem>>, %arg6: memref<16x1029xf32, #tpu.memory_space<vmem>>, %arg7: memref<16x1029xf32, #tpu.memory_space<vmem>>, %arg8: memref<!tpu.dma_semaphore, #tpu.memory_space<semaphore_mem>>, %arg9: memref<!tpu.dma_semaphore, #tpu.memory_space<semaphore_mem>>, %arg10: memref<!tpu.dma_semaphore, #tpu.memory_space<semaphore_mem>>, %arg11: memref<!tpu.dma_semaphore, #tpu.memory_space<semaphore_mem>>) attributes {dimension_semantics = [#tpu.dimension_semantics<core_parallel>, #tpu.dimension_semantics<subcore_parallel>], iteration_bounds = array<i64: 2, 16>, scalar_prefetch = 0 : i64, scratch_operands = 8 : i64, tpu.core_type = #tpu.core_type<sc_vector_subcore>, window_params = [{transform_indices = #map}, {transform_indices = #map}]} {
    %mul3A = arith.constant 2 : i32
    %mul3A_0 = arith.muli %arg1, %mul3A : i32
    %add3A = arith.addi %mul3A_0, %arg0 : i32
    %mul3A_1 = arith.constant 16 : i32
    %mul3A_2 = arith.muli %add3A, %mul3A_1 : i32
    %iota3A = tpu.iota {dimensions = array<i32: 0>} : vector<16xi32>
    %dma_start3A = arith.constant 0 : i32
    %dma_start3A_3 = arith.constant 0 : i32
    %dma_start3A_4 = arith.constant 0 : i32
    %dma_start3A_5 = tpu.memref_slice %arg4[%dma_start3A_3, %dma_start3A_4] : memref<16x1029xf32, #tpu.memory_space<vmem>> -> memref<16x1024xf32, #tpu.memory_space<vmem>>
    %dma_start3A_6 = arith.constant 0 : i32
    %dma_start3A_7 = tpu.memref_slice %arg2[%mul3A_2, %dma_start3A, %dma_start3A_6] : memref<512x64x1024xf32, #tpu.memory_space<hbm>> -> memref<16x1x1024xf32, #tpu.memory_space<hbm>>
    %dma_start3A_8 = tpu.memref_squeeze %dma_start3A_7 : memref<16x1x1024xf32, #tpu.memory_space<hbm>> -> memref<16x1024xf32, #tpu.memory_space<hbm>>
    %dma_start3A_9 = arith.constant 0 : i32
    %dma_start3A_10 = arith.constant 0 : i32
    %dma_start3A_11 = tpu.memref_slice %arg4[%dma_start3A_9, %dma_start3A_10] : memref<16x1029xf32, #tpu.memory_space<vmem>> -> memref<16x1024xf32, #tpu.memory_space<vmem>>
    %dma_start3A_12 = arith.constant 0 : i32
    %dma_start3A_13 = tpu.memref_slice %arg2[%mul3A_2, %dma_start3A, %dma_start3A_12] : memref<512x64x1024xf32, #tpu.memory_space<hbm>> -> memref<16x1x1024xf32, #tpu.memory_space<hbm>>
    %dma_start3A_14 = tpu.memref_squeeze %dma_start3A_13 : memref<16x1x1024xf32, #tpu.memory_space<hbm>> -> memref<16x1024xf32, #tpu.memory_space<hbm>>
    tpu.enqueue_dma source(%dma_start3A_14 : memref<16x1024xf32, #tpu.memory_space<hbm>>) target(%dma_start3A_11 : memref<16x1024xf32, #tpu.memory_space<vmem>>) target_semaphore(%arg8 : memref<!tpu.dma_semaphore, #tpu.memory_space<semaphore_mem>>)
    %broadcast_in_dim3A = arith.constant 0.000000e+00 : f32
    %broadcast_in_dim3A_15 = vector.broadcast %broadcast_in_dim3A : f32 to vector<16xf32>
    %broadcast_in_dim3A_16 = arith.constant 0.000000e+00 : f32
    %broadcast_in_dim3A_17 = vector.broadcast %broadcast_in_dim3A_16 : f32 to vector<16xf32>
    %broadcast_in_dim3A_18 = arith.constant 0.000000e+00 : f32
    %broadcast_in_dim3A_19 = vector.broadcast %broadcast_in_dim3A_18 : f32 to vector<16xf32>
    %broadcast_in_dim3A_20 = arith.constant 0.000000e+00 : f32
    %broadcast_in_dim3A_21 = vector.broadcast %broadcast_in_dim3A_20 : f32 to vector<16xf32>
    %broadcast_in_dim3A_22 = arith.constant 0.000000e+00 : f32
    %broadcast_in_dim3A_23 = vector.broadcast %broadcast_in_dim3A_22 : f32 to vector<16xf32>
    %broadcast_in_dim3A_24 = arith.constant 0.000000e+00 : f32
    %broadcast_in_dim3A_25 = vector.broadcast %broadcast_in_dim3A_24 : f32 to vector<16xf32>
    %broadcast_in_dim3A_26 = arith.constant 0.000000e+00 : f32
    %broadcast_in_dim3A_27 = vector.broadcast %broadcast_in_dim3A_26 : f32 to vector<16xf32>
    %broadcast_in_dim3A_28 = arith.constant 0.000000e+00 : f32
    %broadcast_in_dim3A_29 = vector.broadcast %broadcast_in_dim3A_28 : f32 to vector<16xf32>
    %scan3A = arith.constant 0 : i32
    %scan3A_30 = arith.constant 32 : i32
    %scan3A_31 = arith.addi %scan3A, %scan3A_30 : i32
    %scan3A_32 = arith.constant 1 : i32
    %scan3A_33:8 = scf.for %scan3A_60 = %scan3A to %scan3A_31 step %scan3A_32 iter_args(%scan3A_61 = %broadcast_in_dim3A_15, %scan3A_62 = %broadcast_in_dim3A_17, %scan3A_63 = %broadcast_in_dim3A_19, %scan3A_64 = %broadcast_in_dim3A_21, %scan3A_65 = %broadcast_in_dim3A_23, %scan3A_66 = %broadcast_in_dim3A_25, %scan3A_67 = %broadcast_in_dim3A_27, %scan3A_68 = %broadcast_in_dim3A_29) -> (vector<16xf32>, vector<16xf32>, vector<16xf32>, vector<16xf32>, vector<16xf32>, vector<16xf32>, vector<16xf32>, vector<16xf32>)  : i32 {
      %mul3A_69 = arith.constant 2 : i32
      %mul3A_70 = arith.muli %mul3A_69, %scan3A_60 : i32
      %dma_wait3A_71 = arith.constant 0 : i32
      %dma_wait3A_72 = arith.constant 0 : i32
      %dma_wait3A_73 = tpu.memref_slice %arg4[%dma_wait3A_71, %dma_wait3A_72] : memref<16x1029xf32, #tpu.memory_space<vmem>> -> memref<16x1024xf32, #tpu.memory_space<vmem>>
      %dma_wait3A_74 = arith.constant 0 : i32
      %dma_wait3A_75 = tpu.memref_slice %arg2[%mul3A_2, %mul3A_70, %dma_wait3A_74] : memref<512x64x1024xf32, #tpu.memory_space<hbm>> -> memref<16x1x1024xf32, #tpu.memory_space<hbm>>
      %dma_wait3A_76 = tpu.memref_squeeze %dma_wait3A_75 : memref<16x1x1024xf32, #tpu.memory_space<hbm>> -> memref<16x1024xf32, #tpu.memory_space<hbm>>
      %dma_wait3A_77 = arith.constant 0 : i32
      %dma_wait3A_78 = arith.constant 0 : i32
      %dma_wait3A_79 = tpu.memref_slice %arg4[%dma_wait3A_77, %dma_wait3A_78] : memref<16x1029xf32, #tpu.memory_space<vmem>> -> memref<16x1024xf32, #tpu.memory_space<vmem>>
      %dma_wait3A_80 = arith.constant 0 : i32
      %dma_wait3A_81 = tpu.memref_slice %arg2[%mul3A_2, %mul3A_70, %dma_wait3A_80] : memref<512x64x1024xf32, #tpu.memory_space<hbm>> -> memref<16x1x1024xf32, #tpu.memory_space<hbm>>
      %dma_wait3A_82 = tpu.memref_squeeze %dma_wait3A_81 : memref<16x1x1024xf32, #tpu.memory_space<hbm>> -> memref<16x1024xf32, #tpu.memory_space<hbm>>
      tpu.wait_dma2 semaphore(%arg8 : memref<!tpu.dma_semaphore, #tpu.memory_space<semaphore_mem>>) src(%dma_wait3A_82 : memref<16x1024xf32, #tpu.memory_space<hbm>>) dst(%dma_wait3A_79 : memref<16x1024xf32, #tpu.memory_space<vmem>>)
      %add3A_83 = arith.constant 1 : i32
      %add3A_84 = arith.addi %mul3A_70, %add3A_83 : i32
      %dma_start3A_85 = arith.constant 0 : i32
      %dma_start3A_86 = arith.constant 0 : i32
      %dma_start3A_87 = tpu.memref_slice %arg5[%dma_start3A_85, %dma_start3A_86] : memref<16x1029xf32, #tpu.memory_space<vmem>> -> memref<16x1024xf32, #tpu.memory_space<vmem>>
      %dma_start3A_88 = arith.constant 0 : i32
      %dma_start3A_89 = tpu.memref_slice %arg2[%mul3A_2, %add3A_84, %dma_start3A_88] : memref<512x64x1024xf32, #tpu.memory_space<hbm>> -> memref<16x1x1024xf32, #tpu.memory_space<hbm>>
      %dma_start3A_90 = tpu.memref_squeeze %dma_start3A_89 : memref<16x1x1024xf32, #tpu.memory_space<hbm>> -> memref<16x1024xf32, #tpu.memory_space<hbm>>
      %dma_start3A_91 = arith.constant 0 : i32
      %dma_start3A_92 = arith.constant 0 : i32
      %dma_start3A_93 = tpu.memref_slice %arg5[%dma_start3A_91, %dma_start3A_92] : memref<16x1029xf32, #tpu.memory_space<vmem>> -> memref<16x1024xf32, #tpu.memory_space<vmem>>
      %dma_start3A_94 = arith.constant 0 : i32
      %dma_start3A_95 = tpu.memref_slice %arg2[%mul3A_2, %add3A_84, %dma_start3A_94] : memref<512x64x1024xf32, #tpu.memory_space<hbm>> -> memref<16x1x1024xf32, #tpu.memory_space<hbm>>
      %dma_start3A_96 = tpu.memref_squeeze %dma_start3A_95 : memref<16x1x1024xf32, #tpu.memory_space<hbm>> -> memref<16x1024xf32, #tpu.memory_space<hbm>>
      tpu.enqueue_dma source(%dma_start3A_96 : memref<16x1024xf32, #tpu.memory_space<hbm>>) target(%dma_start3A_93 : memref<16x1024xf32, #tpu.memory_space<vmem>>) target_semaphore(%arg9 : memref<!tpu.dma_semaphore, #tpu.memory_space<semaphore_mem>>)
      %gt3A = arith.constant 0 : i32
      %gt3A_97 = arith.cmpi sgt, %scan3A_60, %gt3A : i32
      %convert_element_type3A = arith.extui %gt3A_97 : i1 to i32
      %cond3A = arith.constant 0 : i32
      %cond3A_98 = arith.cmpi ne, %convert_element_type3A, %cond3A : i32
      scf.if %cond3A_98 {
        %sub3A = arith.constant 2 : i32
        %sub3A_159 = arith.subi %mul3A_70, %sub3A : i32
        %dma_wait3A_160 = arith.constant 0 : i32
        %dma_wait3A_161 = arith.constant 0 : i32
        %dma_wait3A_162 = tpu.memref_slice %arg6[%dma_wait3A_160, %dma_wait3A_161] : memref<16x1029xf32, #tpu.memory_space<vmem>> -> memref<16x1024xf32, #tpu.memory_space<vmem>>
        %dma_wait3A_163 = arith.constant 0 : i32
        %dma_wait3A_164 = tpu.memref_slice %arg3[%mul3A_2, %sub3A_159, %dma_wait3A_163] : memref<512x64x1024xf32, #tpu.memory_space<hbm>> -> memref<16x1x1024xf32, #tpu.memory_space<hbm>>
        %dma_wait3A_165 = tpu.memref_squeeze %dma_wait3A_164 : memref<16x1x1024xf32, #tpu.memory_space<hbm>> -> memref<16x1024xf32, #tpu.memory_space<hbm>>
        %dma_wait3A_166 = arith.constant 0 : i32
        %dma_wait3A_167 = tpu.memref_slice %arg3[%mul3A_2, %sub3A_159, %dma_wait3A_166] : memref<512x64x1024xf32, #tpu.memory_space<hbm>> -> memref<16x1x1024xf32, #tpu.memory_space<hbm>>
        %dma_wait3A_168 = tpu.memref_squeeze %dma_wait3A_167 : memref<16x1x1024xf32, #tpu.memory_space<hbm>> -> memref<16x1024xf32, #tpu.memory_space<hbm>>
        %dma_wait3A_169 = arith.constant 0 : i32
        %dma_wait3A_170 = arith.constant 0 : i32
        %dma_wait3A_171 = tpu.memref_slice %arg6[%dma_wait3A_169, %dma_wait3A_170] : memref<16x1029xf32, #tpu.memory_space<vmem>> -> memref<16x1024xf32, #tpu.memory_space<vmem>>
        tpu.wait_dma2 semaphore(%arg10 : memref<!tpu.dma_semaphore, #tpu.memory_space<semaphore_mem>>) src(%dma_wait3A_171 : memref<16x1024xf32, #tpu.memory_space<vmem>>) dst(%dma_wait3A_168 : memref<16x1024xf32, #tpu.memory_space<hbm>>)
      } else {
      }
      %broadcast_in_dim3A_99 = arith.constant 0 : i32
      %broadcast_in_dim3A_100 = vector.broadcast %broadcast_in_dim3A_99 : i32 to vector<16xi32>
      %parallel_loop3A = arith.constant 0 : i32
      %parallel_loop3A_101 = arith.constant 128 : i32
      %parallel_loop3A_102 = arith.constant 1 : i32
      %parallel_loop3A_103:9 = scf.for %parallel_loop3A_159 = %parallel_loop3A to %parallel_loop3A_101 step %parallel_loop3A_102 iter_args(%parallel_loop3A_160 = %scan3A_61, %parallel_loop3A_161 = %scan3A_62, %parallel_loop3A_162 = %scan3A_63, %parallel_loop3A_163 = %scan3A_64, %parallel_loop3A_164 = %scan3A_65, %parallel_loop3A_165 = %scan3A_66, %parallel_loop3A_166 = %scan3A_67, %parallel_loop3A_167 = %scan3A_68, %parallel_loop3A_168 = %broadcast_in_dim3A_100) -> (vector<16xf32>, vector<16xf32>, vector<16xf32>, vector<16xf32>, vector<16xf32>, vector<16xf32>, vector<16xf32>, vector<16xf32>, vector<16xi32>)  : i32 {
        %parallel_loop3A_169 = arith.constant 0 : i32
        %parallel_loop3A_170 = vector.broadcast %parallel_loop3A_169 : i32 to vector<16xi32>
        %parallel_loop3A_171 = arith.addi %parallel_loop3A_168, %parallel_loop3A_170 : vector<16xi32>
        %parallel_loop3A_172 = arith.constant 128 : i32
        %parallel_loop3A_173 = vector.broadcast %parallel_loop3A_172 : i32 to vector<16xi32>
        %parallel_loop3A_174 = arith.addi %parallel_loop3A_168, %parallel_loop3A_173 : vector<16xi32>
        %parallel_loop3A_175 = arith.constant 256 : i32
        %parallel_loop3A_176 = vector.broadcast %parallel_loop3A_175 : i32 to vector<16xi32>
        %parallel_loop3A_177 = arith.addi %parallel_loop3A_168, %parallel_loop3A_176 : vector<16xi32>
        %parallel_loop3A_178 = arith.constant 384 : i32
        %parallel_loop3A_179 = vector.broadcast %parallel_loop3A_178 : i32 to vector<16xi32>
        %parallel_loop3A_180 = arith.addi %parallel_loop3A_168, %parallel_loop3A_179 : vector<16xi32>
        %parallel_loop3A_181 = arith.constant 512 : i32
        %parallel_loop3A_182 = vector.broadcast %parallel_loop3A_181 : i32 to vector<16xi32>
        %parallel_loop3A_183 = arith.addi %parallel_loop3A_168, %parallel_loop3A_182 : vector<16xi32>
        %parallel_loop3A_184 = arith.constant 640 : i32
        %parallel_loop3A_185 = vector.broadcast %parallel_loop3A_184 : i32 to vector<16xi32>
        %parallel_loop3A_186 = arith.addi %parallel_loop3A_168, %parallel_loop3A_185 : vector<16xi32>
        %parallel_loop3A_187 = arith.constant 768 : i32
        %parallel_loop3A_188 = vector.broadcast %parallel_loop3A_187 : i32 to vector<16xi32>
        %parallel_loop3A_189 = arith.addi %parallel_loop3A_168, %parallel_loop3A_188 : vector<16xi32>
        %parallel_loop3A_190 = arith.constant 896 : i32
        %parallel_loop3A_191 = vector.broadcast %parallel_loop3A_190 : i32 to vector<16xi32>
        %parallel_loop3A_192 = arith.addi %parallel_loop3A_168, %parallel_loop3A_191 : vector<16xi32>
        %parallel_loop3A_193 = tpu.vector_load_idx %arg4[%iota3A, %parallel_loop3A_171] : memref<16x1029xf32, #tpu.memory_space<vmem>>[vector<16xi32>, vector<16xi32>], vector<16xf32>,
        %parallel_loop3A_194 = tpu.vector_load_idx %arg4[%iota3A, %parallel_loop3A_174] : memref<16x1029xf32, #tpu.memory_space<vmem>>[vector<16xi32>, vector<16xi32>], vector<16xf32>,
        %parallel_loop3A_195 = tpu.vector_load_idx %arg4[%iota3A, %parallel_loop3A_177] : memref<16x1029xf32, #tpu.memory_space<vmem>>[vector<16xi32>, vector<16xi32>], vector<16xf32>,
        %parallel_loop3A_196 = tpu.vector_load_idx %arg4[%iota3A, %parallel_loop3A_180] : memref<16x1029xf32, #tpu.memory_space<vmem>>[vector<16xi32>, vector<16xi32>], vector<16xf32>,
        %parallel_loop3A_197 = tpu.vector_load_idx %arg4[%iota3A, %parallel_loop3A_183] : memref<16x1029xf32, #tpu.memory_space<vmem>>[vector<16xi32>, vector<16xi32>], vector<16xf32>,
        %parallel_loop3A_198 = tpu.vector_load_idx %arg4[%iota3A, %parallel_loop3A_186] : memref<16x1029xf32, #tpu.memory_space<vmem>>[vector<16xi32>, vector<16xi32>], vector<16xf32>,
        %parallel_loop3A_199 = tpu.vector_load_idx %arg4[%iota3A, %parallel_loop3A_189] : memref<16x1029xf32, #tpu.memory_space<vmem>>[vector<16xi32>, vector<16xi32>], vector<16xf32>,
        %parallel_loop3A_200 = tpu.vector_load_idx %arg4[%iota3A, %parallel_loop3A_192] : memref<16x1029xf32, #tpu.memory_space<vmem>>[vector<16xi32>, vector<16xi32>], vector<16xf32>,
        %parallel_loop3A_201 = arith.addf %parallel_loop3A_160, %parallel_loop3A_193 : vector<16xf32>
        %parallel_loop3A_202 = arith.addf %parallel_loop3A_161, %parallel_loop3A_194 : vector<16xf32>
        %parallel_loop3A_203 = arith.addf %parallel_loop3A_162, %parallel_loop3A_195 : vector<16xf32>
        %parallel_loop3A_204 = arith.addf %parallel_loop3A_163, %parallel_loop3A_196 : vector<16xf32>
        %parallel_loop3A_205 = arith.addf %parallel_loop3A_164, %parallel_loop3A_197 : vector<16xf32>
        %parallel_loop3A_206 = arith.addf %parallel_loop3A_165, %parallel_loop3A_198 : vector<16xf32>
        %parallel_loop3A_207 = arith.addf %parallel_loop3A_166, %parallel_loop3A_199 : vector<16xf32>
        %parallel_loop3A_208 = arith.addf %parallel_loop3A_167, %parallel_loop3A_200 : vector<16xf32>
        tpu.vector_store_idx %arg6[%iota3A, %parallel_loop3A_171], %parallel_loop3A_201 : memref<16x1029xf32, #tpu.memory_space<vmem>>[vector<16xi32>, vector<16xi32>], vector<16xf32>,
        tpu.vector_store_idx %arg6[%iota3A, %parallel_loop3A_174], %parallel_loop3A_202 : memref<16x1029xf32, #tpu.memory_space<vmem>>[vector<16xi32>, vector<16xi32>], vector<16xf32>,
        tpu.vector_store_idx %arg6[%iota3A, %parallel_loop3A_177], %parallel_loop3A_203 : memref<16x1029xf32, #tpu.memory_space<vmem>>[vector<16xi32>, vector<16xi32>], vector<16xf32>,
        tpu.vector_store_idx %arg6[%iota3A, %parallel_loop3A_180], %parallel_loop3A_204 : memref<16x1029xf32, #tpu.memory_space<vmem>>[vector<16xi32>, vector<16xi32>], vector<16xf32>,
        tpu.vector_store_idx %arg6[%iota3A, %parallel_loop3A_183], %parallel_loop3A_205 : memref<16x1029xf32, #tpu.memory_space<vmem>>[vector<16xi32>, vector<16xi32>], vector<16xf32>,
        tpu.vector_store_idx %arg6[%iota3A, %parallel_loop3A_186], %parallel_loop3A_206 : memref<16x1029xf32, #tpu.memory_space<vmem>>[vector<16xi32>, vector<16xi32>], vector<16xf32>,
        tpu.vector_store_idx %arg6[%iota3A, %parallel_loop3A_189], %parallel_loop3A_207 : memref<16x1029xf32, #tpu.memory_space<vmem>>[vector<16xi32>, vector<16xi32>], vector<16xf32>,
        tpu.vector_store_idx %arg6[%iota3A, %parallel_loop3A_192], %parallel_loop3A_208 : memref<16x1029xf32, #tpu.memory_space<vmem>>[vector<16xi32>, vector<16xi32>], vector<16xf32>,
        %parallel_loop3A_209 = arith.constant 1 : i32
        %parallel_loop3A_210 = vector.broadcast %parallel_loop3A_209 : i32 to vector<16xi32>
        %parallel_loop3A_211 = arith.addi %parallel_loop3A_168, %parallel_loop3A_210 : vector<16xi32>
        scf.yield %parallel_loop3A_201, %parallel_loop3A_202, %parallel_loop3A_203, %parallel_loop3A_204, %parallel_loop3A_205, %parallel_loop3A_206, %parallel_loop3A_207, %parallel_loop3A_208, %parallel_loop3A_211 : vector<16xf32>, vector<16xf32>, vector<16xf32>, vector<16xf32>, vector<16xf32>, vector<16xf32>, vector<16xf32>, vector<16xf32>, vector<16xi32>
      } {sc.loop_unroll_factor = 2 : i64, sc.parallel_access}
      %dma_start3A_104 = arith.constant 0 : i32
      %dma_start3A_105 = arith.constant 0 : i32
      %dma_start3A_106 = tpu.memref_slice %arg6[%dma_start3A_104, %dma_start3A_105] : memref<16x1029xf32, #tpu.memory_space<vmem>> -> memref<16x1024xf32, #tpu.memory_space<vmem>>
      %dma_start3A_107 = arith.constant 0 : i32
      %dma_start3A_108 = tpu.memref_slice %arg3[%mul3A_2, %mul3A_70, %dma_start3A_107] : memref<512x64x1024xf32, #tpu.memory_space<hbm>> -> memref<16x1x1024xf32, #tpu.memory_space<hbm>>
      %dma_start3A_109 = tpu.memref_squeeze %dma_start3A_108 : memref<16x1x1024xf32, #tpu.memory_space<hbm>> -> memref<16x1024xf32, #tpu.memory_space<hbm>>
      %dma_start3A_110 = arith.constant 0 : i32
      %dma_start3A_111 = tpu.memref_slice %arg3[%mul3A_2, %mul3A_70, %dma_start3A_110] : memref<512x64x1024xf32, #tpu.memory_space<hbm>> -> memref<16x1x1024xf32, #tpu.memory_space<hbm>>
      %dma_start3A_112 = tpu.memref_squeeze %dma_start3A_111 : memref<16x1x1024xf32, #tpu.memory_space<hbm>> -> memref<16x1024xf32, #tpu.memory_space<hbm>>
      %dma_start3A_113 = arith.constant 0 : i32
      %dma_start3A_114 = arith.constant 0 : i32
      %dma_start3A_115 = tpu.memref_slice %arg6[%dma_start3A_113, %dma_start3A_114] : memref<16x1029xf32, #tpu.memory_space<vmem>> -> memref<16x1024xf32, #tpu.memory_space<vmem>>
      tpu.enqueue_dma source(%dma_start3A_115 : memref<16x1024xf32, #tpu.memory_space<vmem>>) target(%dma_start3A_112 : memref<16x1024xf32, #tpu.memory_space<hbm>>) target_semaphore(%arg10 : memref<!tpu.dma_semaphore, #tpu.memory_space<semaphore_mem>>)
      %add3A_116 = arith.constant 1 : i32
      %add3A_117 = arith.addi %mul3A_70, %add3A_116 : i32
      %dma_wait3A_118 = arith.constant 0 : i32
      %dma_wait3A_119 = arith.constant 0 : i32
      %dma_wait3A_120 = tpu.memref_slice %arg5[%dma_wait3A_118, %dma_wait3A_119] : memref<16x1029xf32, #tpu.memory_space<vmem>> -> memref<16x1024xf32, #tpu.memory_space<vmem>>
      %dma_wait3A_121 = arith.constant 0 : i32
      %dma_wait3A_122 = tpu.memref_slice %arg2[%mul3A_2, %add3A_117, %dma_wait3A_121] : memref<512x64x1024xf32, #tpu.memory_space<hbm>> -> memref<16x1x1024xf32, #tpu.memory_space<hbm>>
      %dma_wait3A_123 = tpu.memref_squeeze %dma_wait3A_122 : memref<16x1x1024xf32, #tpu.memory_space<hbm>> -> memref<16x1024xf32, #tpu.memory_space<hbm>>
      %dma_wait3A_124 = arith.constant 0 : i32
      %dma_wait3A_125 = arith.constant 0 : i32
      %dma_wait3A_126 = tpu.memref_slice %arg5[%dma_wait3A_124, %dma_wait3A_125] : memref<16x1029xf32, #tpu.memory_space<vmem>> -> memref<16x1024xf32, #tpu.memory_space<vmem>>
      %dma_wait3A_127 = arith.constant 0 : i32
      %dma_wait3A_128 = tpu.memref_slice %arg2[%mul3A_2, %add3A_117, %dma_wait3A_127] : memref<512x64x1024xf32, #tpu.memory_space<hbm>> -> memref<16x1x1024xf32, #tpu.memory_space<hbm>>
      %dma_wait3A_129 = tpu.memref_squeeze %dma_wait3A_128 : memref<16x1x1024xf32, #tpu.memory_space<hbm>> -> memref<16x1024xf32, #tpu.memory_space<hbm>>
      tpu.wait_dma2 semaphore(%arg9 : memref<!tpu.dma_semaphore, #tpu.memory_space<semaphore_mem>>) src(%dma_wait3A_129 : memref<16x1024xf32, #tpu.memory_space<hbm>>) dst(%dma_wait3A_126 : memref<16x1024xf32, #tpu.memory_space<vmem>>)
      %lt3A = arith.constant 31 : i32
      %lt3A_130 = arith.cmpi slt, %scan3A_60, %lt3A : i32
      %convert_element_type3A_131 = arith.extui %lt3A_130 : i1 to i32
      %cond3A_132 = arith.constant 0 : i32
      %cond3A_133 = arith.cmpi ne, %convert_element_type3A_131, %cond3A_132 : i32
      scf.if %cond3A_133 {
        %add3A_159 = arith.constant 2 : i32
        %add3A_160 = arith.addi %mul3A_70, %add3A_159 : i32
        %dma_start3A_161 = arith.constant 0 : i32
        %dma_start3A_162 = arith.constant 0 : i32
        %dma_start3A_163 = tpu.memref_slice %arg4[%dma_start3A_161, %dma_start3A_162] : memref<16x1029xf32, #tpu.memory_space<vmem>> -> memref<16x1024xf32, #tpu.memory_space<vmem>>
        %dma_start3A_164 = arith.constant 0 : i32
        %dma_start3A_165 = tpu.memref_slice %arg2[%mul3A_2, %add3A_160, %dma_start3A_164] : memref<512x64x1024xf32, #tpu.memory_space<hbm>> -> memref<16x1x1024xf32, #tpu.memory_space<hbm>>
        %dma_start3A_166 = tpu.memref_squeeze %dma_start3A_165 : memref<16x1x1024xf32, #tpu.memory_space<hbm>> -> memref<16x1024xf32, #tpu.memory_space<hbm>>
        %dma_start3A_167 = arith.constant 0 : i32
        %dma_start3A_168 = arith.constant 0 : i32
        %dma_start3A_169 = tpu.memref_slice %arg4[%dma_start3A_167, %dma_start3A_168] : memref<16x1029xf32, #tpu.memory_space<vmem>> -> memref<16x1024xf32, #tpu.memory_space<vmem>>
        %dma_start3A_170 = arith.constant 0 : i32
        %dma_start3A_171 = tpu.memref_slice %arg2[%mul3A_2, %add3A_160, %dma_start3A_170] : memref<512x64x1024xf32, #tpu.memory_space<hbm>> -> memref<16x1x1024xf32, #tpu.memory_space<hbm>>
        %dma_start3A_172 = tpu.memref_squeeze %dma_start3A_171 : memref<16x1x1024xf32, #tpu.memory_space<hbm>> -> memref<16x1024xf32, #tpu.memory_space<hbm>>
        tpu.enqueue_dma source(%dma_start3A_172 : memref<16x1024xf32, #tpu.memory_space<hbm>>) target(%dma_start3A_169 : memref<16x1024xf32, #tpu.memory_space<vmem>>) target_semaphore(%arg8 : memref<!tpu.dma_semaphore, #tpu.memory_space<semaphore_mem>>)
      } else {
      }
      %gt3A_134 = arith.constant 0 : i32
      %gt3A_135 = arith.cmpi sgt, %scan3A_60, %gt3A_134 : i32
      %convert_element_type3A_136 = arith.extui %gt3A_135 : i1 to i32
      %cond3A_137 = arith.constant 0 : i32
      %cond3A_138 = arith.cmpi ne, %convert_element_type3A_136, %cond3A_137 : i32
      scf.if %cond3A_138 {
        %sub3A = arith.constant 1 : i32
        %sub3A_159 = arith.subi %mul3A_70, %sub3A : i32
        %dma_wait3A_160 = arith.constant 0 : i32
        %dma_wait3A_161 = arith.constant 0 : i32
        %dma_wait3A_162 = tpu.memref_slice %arg7[%dma_wait3A_160, %dma_wait3A_161] : memref<16x1029xf32, #tpu.memory_space<vmem>> -> memref<16x1024xf32, #tpu.memory_space<vmem>>
        %dma_wait3A_163 = arith.constant 0 : i32
        %dma_wait3A_164 = tpu.memref_slice %arg3[%mul3A_2, %sub3A_159, %dma_wait3A_163] : memref<512x64x1024xf32, #tpu.memory_space<hbm>> -> memref<16x1x1024xf32, #tpu.memory_space<hbm>>
        %dma_wait3A_165 = tpu.memref_squeeze %dma_wait3A_164 : memref<16x1x1024xf32, #tpu.memory_space<hbm>> -> memref<16x1024xf32, #tpu.memory_space<hbm>>
        %dma_wait3A_166 = arith.constant 0 : i32
        %dma_wait3A_167 = tpu.memref_slice %arg3[%mul3A_2, %sub3A_159, %dma_wait3A_166] : memref<512x64x1024xf32, #tpu.memory_space<hbm>> -> memref<16x1x1024xf32, #tpu.memory_space<hbm>>
        %dma_wait3A_168 = tpu.memref_squeeze %dma_wait3A_167 : memref<16x1x1024xf32, #tpu.memory_space<hbm>> -> memref<16x1024xf32, #tpu.memory_space<hbm>>
        %dma_wait3A_169 = arith.constant 0 : i32
        %dma_wait3A_170 = arith.constant 0 : i32
        %dma_wait3A_171 = tpu.memref_slice %arg7[%dma_wait3A_169, %dma_wait3A_170] : memref<16x1029xf32, #tpu.memory_space<vmem>> -> memref<16x1024xf32, #tpu.memory_space<vmem>>
        tpu.wait_dma2 semaphore(%arg11 : memref<!tpu.dma_semaphore, #tpu.memory_space<semaphore_mem>>) src(%dma_wait3A_171 : memref<16x1024xf32, #tpu.memory_space<vmem>>) dst(%dma_wait3A_168 : memref<16x1024xf32, #tpu.memory_space<hbm>>)
      } else {
      }
      %broadcast_in_dim3A_139 = arith.constant 0 : i32
      %broadcast_in_dim3A_140 = vector.broadcast %broadcast_in_dim3A_139 : i32 to vector<16xi32>
      %parallel_loop3A_141 = arith.constant 0 : i32
      %parallel_loop3A_142 = arith.constant 128 : i32
      %parallel_loop3A_143 = arith.constant 1 : i32
      %parallel_loop3A_144:9 = scf.for %parallel_loop3A_159 = %parallel_loop3A_141 to %parallel_loop3A_142 step %parallel_loop3A_143 iter_args(%parallel_loop3A_160 = %parallel_loop3A_103#0, %parallel_loop3A_161 = %parallel_loop3A_103#1, %parallel_loop3A_162 = %parallel_loop3A_103#2, %parallel_loop3A_163 = %parallel_loop3A_103#3, %parallel_loop3A_164 = %parallel_loop3A_103#4, %parallel_loop3A_165 = %parallel_loop3A_103#5, %parallel_loop3A_166 = %parallel_loop3A_103#6, %parallel_loop3A_167 = %parallel_loop3A_103#7, %parallel_loop3A_168 = %broadcast_in_dim3A_140) -> (vector<16xf32>, vector<16xf32>, vector<16xf32>, vector<16xf32>, vector<16xf32>, vector<16xf32>, vector<16xf32>, vector<16xf32>, vector<16xi32>)  : i32 {
        %parallel_loop3A_169 = arith.constant 0 : i32
        %parallel_loop3A_170 = vector.broadcast %parallel_loop3A_169 : i32 to vector<16xi32>
        %parallel_loop3A_171 = arith.addi %parallel_loop3A_168, %parallel_loop3A_170 : vector<16xi32>
        %parallel_loop3A_172 = arith.constant 128 : i32
        %parallel_loop3A_173 = vector.broadcast %parallel_loop3A_172 : i32 to vector<16xi32>
        %parallel_loop3A_174 = arith.addi %parallel_loop3A_168, %parallel_loop3A_173 : vector<16xi32>
        %parallel_loop3A_175 = arith.constant 256 : i32
        %parallel_loop3A_176 = vector.broadcast %parallel_loop3A_175 : i32 to vector<16xi32>
        %parallel_loop3A_177 = arith.addi %parallel_loop3A_168, %parallel_loop3A_176 : vector<16xi32>
        %parallel_loop3A_178 = arith.constant 384 : i32
        %parallel_loop3A_179 = vector.broadcast %parallel_loop3A_178 : i32 to vector<16xi32>
        %parallel_loop3A_180 = arith.addi %parallel_loop3A_168, %parallel_loop3A_179 : vector<16xi32>
        %parallel_loop3A_181 = arith.constant 512 : i32
        %parallel_loop3A_182 = vector.broadcast %parallel_loop3A_181 : i32 to vector<16xi32>
        %parallel_loop3A_183 = arith.addi %parallel_loop3A_168, %parallel_loop3A_182 : vector<16xi32>
        %parallel_loop3A_184 = arith.constant 640 : i32
        %parallel_loop3A_185 = vector.broadcast %parallel_loop3A_184 : i32 to vector<16xi32>
        %parallel_loop3A_186 = arith.addi %parallel_loop3A_168, %parallel_loop3A_185 : vector<16xi32>
        %parallel_loop3A_187 = arith.constant 768 : i32
        %parallel_loop3A_188 = vector.broadcast %parallel_loop3A_187 : i32 to vector<16xi32>
        %parallel_loop3A_189 = arith.addi %parallel_loop3A_168, %parallel_loop3A_188 : vector<16xi32>
        %parallel_loop3A_190 = arith.constant 896 : i32
        %parallel_loop3A_191 = vector.broadcast %parallel_loop3A_190 : i32 to vector<16xi32>
        %parallel_loop3A_192 = arith.addi %parallel_loop3A_168, %parallel_loop3A_191 : vector<16xi32>
        %parallel_loop3A_193 = tpu.vector_load_idx %arg5[%iota3A, %parallel_loop3A_171] : memref<16x1029xf32, #tpu.memory_space<vmem>>[vector<16xi32>, vector<16xi32>], vector<16xf32>,
        %parallel_loop3A_194 = tpu.vector_load_idx %arg5[%iota3A, %parallel_loop3A_174] : memref<16x1029xf32, #tpu.memory_space<vmem>>[vector<16xi32>, vector<16xi32>], vector<16xf32>,
        %parallel_loop3A_195 = tpu.vector_load_idx %arg5[%iota3A, %parallel_loop3A_177] : memref<16x1029xf32, #tpu.memory_space<vmem>>[vector<16xi32>, vector<16xi32>], vector<16xf32>,
        %parallel_loop3A_196 = tpu.vector_load_idx %arg5[%iota3A, %parallel_loop3A_180] : memref<16x1029xf32, #tpu.memory_space<vmem>>[vector<16xi32>, vector<16xi32>], vector<16xf32>,
        %parallel_loop3A_197 = tpu.vector_load_idx %arg5[%iota3A, %parallel_loop3A_183] : memref<16x1029xf32, #tpu.memory_space<vmem>>[vector<16xi32>, vector<16xi32>], vector<16xf32>,
        %parallel_loop3A_198 = tpu.vector_load_idx %arg5[%iota3A, %parallel_loop3A_186] : memref<16x1029xf32, #tpu.memory_space<vmem>>[vector<16xi32>, vector<16xi32>], vector<16xf32>,
        %parallel_loop3A_199 = tpu.vector_load_idx %arg5[%iota3A, %parallel_loop3A_189] : memref<16x1029xf32, #tpu.memory_space<vmem>>[vector<16xi32>, vector<16xi32>], vector<16xf32>,
        %parallel_loop3A_200 = tpu.vector_load_idx %arg5[%iota3A, %parallel_loop3A_192] : memref<16x1029xf32, #tpu.memory_space<vmem>>[vector<16xi32>, vector<16xi32>], vector<16xf32>,
        %parallel_loop3A_201 = arith.addf %parallel_loop3A_160, %parallel_loop3A_193 : vector<16xf32>
        %parallel_loop3A_202 = arith.addf %parallel_loop3A_161, %parallel_loop3A_194 : vector<16xf32>
        %parallel_loop3A_203 = arith.addf %parallel_loop3A_162, %parallel_loop3A_195 : vector<16xf32>
        %parallel_loop3A_204 = arith.addf %parallel_loop3A_163, %parallel_loop3A_196 : vector<16xf32>
        %parallel_loop3A_205 = arith.addf %parallel_loop3A_164, %parallel_loop3A_197 : vector<16xf32>
        %parallel_loop3A_206 = arith.addf %parallel_loop3A_165, %parallel_loop3A_198 : vector<16xf32>
        %parallel_loop3A_207 = arith.addf %parallel_loop3A_166, %parallel_loop3A_199 : vector<16xf32>
        %parallel_loop3A_208 = arith.addf %parallel_loop3A_167, %parallel_loop3A_200 : vector<16xf32>
        tpu.vector_store_idx %arg7[%iota3A, %parallel_loop3A_171], %parallel_loop3A_201 : memref<16x1029xf32, #tpu.memory_space<vmem>>[vector<16xi32>, vector<16xi32>], vector<16xf32>,
        tpu.vector_store_idx %arg7[%iota3A, %parallel_loop3A_174], %parallel_loop3A_202 : memref<16x1029xf32, #tpu.memory_space<vmem>>[vector<16xi32>, vector<16xi32>], vector<16xf32>,
        tpu.vector_store_idx %arg7[%iota3A, %parallel_loop3A_177], %parallel_loop3A_203 : memref<16x1029xf32, #tpu.memory_space<vmem>>[vector<16xi32>, vector<16xi32>], vector<16xf32>,
        tpu.vector_store_idx %arg7[%iota3A, %parallel_loop3A_180], %parallel_loop3A_204 : memref<16x1029xf32, #tpu.memory_space<vmem>>[vector<16xi32>, vector<16xi32>], vector<16xf32>,
        tpu.vector_store_idx %arg7[%iota3A, %parallel_loop3A_183], %parallel_loop3A_205 : memref<16x1029xf32, #tpu.memory_space<vmem>>[vector<16xi32>, vector<16xi32>], vector<16xf32>,
        tpu.vector_store_idx %arg7[%iota3A, %parallel_loop3A_186], %parallel_loop3A_206 : memref<16x1029xf32, #tpu.memory_space<vmem>>[vector<16xi32>, vector<16xi32>], vector<16xf32>,
        tpu.vector_store_idx %arg7[%iota3A, %parallel_loop3A_189], %parallel_loop3A_207 : memref<16x1029xf32, #tpu.memory_space<vmem>>[vector<16xi32>, vector<16xi32>], vector<16xf32>,
        tpu.vector_store_idx %arg7[%iota3A, %parallel_loop3A_192], %parallel_loop3A_208 : memref<16x1029xf32, #tpu.memory_space<vmem>>[vector<16xi32>, vector<16xi32>], vector<16xf32>,
        %parallel_loop3A_209 = arith.constant 1 : i32
        %parallel_loop3A_210 = vector.broadcast %parallel_loop3A_209 : i32 to vector<16xi32>
        %parallel_loop3A_211 = arith.addi %parallel_loop3A_168, %parallel_loop3A_210 : vector<16xi32>
        scf.yield %parallel_loop3A_201, %parallel_loop3A_202, %parallel_loop3A_203, %parallel_loop3A_204, %parallel_loop3A_205, %parallel_loop3A_206, %parallel_loop3A_207, %parallel_loop3A_208, %parallel_loop3A_211 : vector<16xf32>, vector<16xf32>, vector<16xf32>, vector<16xf32>, vector<16xf32>, vector<16xf32>, vector<16xf32>, vector<16xf32>, vector<16xi32>
      } {sc.loop_unroll_factor = 2 : i64, sc.parallel_access}
      %add3A_145 = arith.constant 1 : i32
      %add3A_146 = arith.addi %mul3A_70, %add3A_145 : i32
      %dma_start3A_147 = arith.constant 0 : i32
      %dma_start3A_148 = arith.constant 0 : i32
      %dma_start3A_149 = tpu.memref_slice %arg7[%dma_start3A_147, %dma_start3A_148] : memref<16x1029xf32, #tpu.memory_space<vmem>> -> memref<16x1024xf32, #tpu.memory_space<vmem>>
      %dma_start3A_150 = arith.constant 0 : i32
      %dma_start3A_151 = tpu.memref_slice %arg3[%mul3A_2, %add3A_146, %dma_start3A_150] : memref<512x64x1024xf32, #tpu.memory_space<hbm>> -> memref<16x1x1024xf32, #tpu.memory_space<hbm>>
      %dma_start3A_152 = tpu.memref_squeeze %dma_start3A_151 : memref<16x1x1024xf32, #tpu.memory_space<hbm>> -> memref<16x1024xf32, #tpu.memory_space<hbm>>
      %dma_start3A_153 = arith.constant 0 : i32
      %dma_start3A_154 = tpu.memref_slice %arg3[%mul3A_2, %add3A_146, %dma_start3A_153] : memref<512x64x1024xf32, #tpu.memory_space<hbm>> -> memref<16x1x1024xf32, #tpu.memory_space<hbm>>
      %dma_start3A_155 = tpu.memref_squeeze %dma_start3A_154 : memref<16x1x1024xf32, #tpu.memory_space<hbm>> -> memref<16x1024xf32, #tpu.memory_space<hbm>>
      %dma_start3A_156 = arith.constant 0 : i32
      %dma_start3A_157 = arith.constant 0 : i32
      %dma_start3A_158 = tpu.memref_slice %arg7[%dma_start3A_156, %dma_start3A_157] : memref<16x1029xf32, #tpu.memory_space<vmem>> -> memref<16x1024xf32, #tpu.memory_space<vmem>>
      tpu.enqueue_dma source(%dma_start3A_158 : memref<16x1024xf32, #tpu.memory_space<vmem>>) target(%dma_start3A_155 : memref<16x1024xf32, #tpu.memory_space<hbm>>) target_semaphore(%arg11 : memref<!tpu.dma_semaphore, #tpu.memory_space<semaphore_mem>>)
      scf.yield %parallel_loop3A_144#0, %parallel_loop3A_144#1, %parallel_loop3A_144#2, %parallel_loop3A_144#3, %parallel_loop3A_144#4, %parallel_loop3A_144#5, %parallel_loop3A_144#6, %parallel_loop3A_144#7 : vector<16xf32>, vector<16xf32>, vector<16xf32>, vector<16xf32>, vector<16xf32>, vector<16xf32>, vector<16xf32>, vector<16xf32>
    }
    %scan3A_34 = arith.constant 32 : i32
    %dma_wait3A = arith.constant 62 : i32
    %dma_wait3A_35 = arith.constant 0 : i32
    %dma_wait3A_36 = arith.constant 0 : i32
    %dma_wait3A_37 = tpu.memref_slice %arg6[%dma_wait3A_35, %dma_wait3A_36] : memref<16x1029xf32, #tpu.memory_space<vmem>> -> memref<16x1024xf32, #tpu.memory_space<vmem>>
    %dma_wait3A_38 = arith.constant 0 : i32
    %dma_wait3A_39 = tpu.memref_slice %arg3[%mul3A_2, %dma_wait3A, %dma_wait3A_38] : memref<512x64x1024xf32, #tpu.memory_space<hbm>> -> memref<16x1x1024xf32, #tpu.memory_space<hbm>>
    %dma_wait3A_40 = tpu.memref_squeeze %dma_wait3A_39 : memref<16x1x1024xf32, #tpu.memory_space<hbm>> -> memref<16x1024xf32, #tpu.memory_space<hbm>>
    %dma_wait3A_41 = arith.constant 0 : i32
    %dma_wait3A_42 = tpu.memref_slice %arg3[%mul3A_2, %dma_wait3A, %dma_wait3A_41] : memref<512x64x1024xf32, #tpu.memory_space<hbm>> -> memref<16x1x1024xf32, #tpu.memory_space<hbm>>
    %dma_wait3A_43 = tpu.memref_squeeze %dma_wait3A_42 : memref<16x1x1024xf32, #tpu.memory_space<hbm>> -> memref<16x1024xf32, #tpu.memory_space<hbm>>
    %dma_wait3A_44 = arith.constant 0 : i32
    %dma_wait3A_45 = arith.constant 0 : i32
    %dma_wait3A_46 = tpu.memref_slice %arg6[%dma_wait3A_44, %dma_wait3A_45] : memref<16x1029xf32, #tpu.memory_space<vmem>> -> memref<16x1024xf32, #tpu.memory_space<vmem>>
    tpu.wait_dma2 semaphore(%arg10 : memref<!tpu.dma_semaphore, #tpu.memory_space<semaphore_mem>>) src(%dma_wait3A_46 : memref<16x1024xf32, #tpu.memory_space<vmem>>) dst(%dma_wait3A_43 : memref<16x1024xf32, #tpu.memory_space<hbm>>)
    %dma_wait3A_47 = arith.constant 63 : i32
    %dma_wait3A_48 = arith.constant 0 : i32
    %dma_wait3A_49 = arith.constant 0 : i32
    %dma_wait3A_50 = tpu.memref_slice %arg7[%dma_wait3A_48, %dma_wait3A_49] : memref<16x1029xf32, #tpu.memory_space<vmem>> -> memref<16x1024xf32, #tpu.memory_space<vmem>>
    %dma_wait3A_51 = arith.constant 0 : i32
    %dma_wait3A_52 = tpu.memref_slice %arg3[%mul3A_2, %dma_wait3A_47, %dma_wait3A_51] : memref<512x64x1024xf32, #tpu.memory_space<hbm>> -> memref<16x1x1024xf32, #tpu.memory_space<hbm>>
    %dma_wait3A_53 = tpu.memref_squeeze %dma_wait3A_52 : memref<16x1x1024xf32, #tpu.memory_space<hbm>> -> memref<16x1024xf32, #tpu.memory_space<hbm>>
    %dma_wait3A_54 = arith.constant 0 : i32
    %dma_wait3A_55 = tpu.memref_slice %arg3[%mul3A_2, %dma_wait3A_47, %dma_wait3A_54] : memref<512x64x1024xf32, #tpu.memory_space<hbm>> -> memref<16x1x1024xf32, #tpu.memory_space<hbm>>
    %dma_wait3A_56 = tpu.memref_squeeze %dma_wait3A_55 : memref<16x1x1024xf32, #tpu.memory_space<hbm>> -> memref<16x1024xf32, #tpu.memory_space<hbm>>
    %dma_wait3A_57 = arith.constant 0 : i32
    %dma_wait3A_58 = arith.constant 0 : i32
    %dma_wait3A_59 = tpu.memref_slice %arg7[%dma_wait3A_57, %dma_wait3A_58] : memref<16x1029xf32, #tpu.memory_space<vmem>> -> memref<16x1024xf32, #tpu.memory_space<vmem>>
    tpu.wait_dma2 semaphore(%arg11 : memref<!tpu.dma_semaphore, #tpu.memory_space<semaphore_mem>>) src(%dma_wait3A_59 : memref<16x1024xf32, #tpu.memory_space<vmem>>) dst(%dma_wait3A_56 : memref<16x1024xf32, #tpu.memory_space<hbm>>)
    return
  }
}

</mosaic_0001>

<sc_bundles>
// kernel: kernel.3.cloned.1.call-start
scs
__scs_entry_jumppad:
0x0: {  	(pc) =	sbr.rel $0x88, $3  }
0x1: {  	(tag) =	ssettag $0x0;
	lr =	simm.s32 $0x1  }
0x2: {  	[smem:$0x3FA0] =	sst lr;
	_ =	strace $0xD0000000  }
0x3: {  	_ = 	snop  }
0x4: {  	_ = 	snop  }
0x5: {  	_ = 	snop  }
0x6: {  	_ = 	snop  }
0x7: {  	_ = 	snop  }
__scs_overlays_trampoline_lowered:
0x8: {  	[smem:$0x3FAF] =	sst s0  }
0x9: {  	[smem:$0x3FB0] =	sst s1  }
0xa: {  	[smem:$0x3FB1] =	sst s2  }
0xb: {  	[smem:$0x3FB2] =	sst s3  }
0xc: {  	[smem:$0x3FB3] =	sst s4  }
0xd: {  	[smem:$0x3FB4] =	sst s5  }
0xe: {  	[smem:$0x3FB5] =	sst s6  }
0xf: {  	[smem:$0x3FB6] =	sst s7  }
0x10: {  	[smem:$0x3FB7] =	sst s8  }
0x11: {  	[smem:$0x3FB8] =	sst s9;
	s0 =	simm.s32 @!p0 $0x0  }
0x12: {  	s1 =	sld [smem:$0x3F9E];
	s0 =	simm.s32 @p0 $0x1  }
0x13: {  	[smem:$0x3FB9] =	sst s0;
	s0 =	simm.s32 @!p1 $0x0  }
0x14: {  	s2 =	sld [smem:$0x3F9D];
	s0 =	simm.s32 @p1 $0x1  }
0x15: {  	[smem:$0x3FBA] =	sst s0;
	s0 =	simm.s32 @!p2 $0x0  }
0x16: {  	s3 =	sld [smem:$0x3FDB];
	s0 =	simm.s32 @p2 $0x1  }
0x17: {  	s4 =	simm.s32 $0x1BF5;
	[smem:$0x3FBC] =	sst s0  }
0x18: {  	s0 =	sld [smem:$0x3F9F];
	_ =	swait.ge [sflag:s4], $0x0  }
0x19: {  	s7 =	sld [smem:$0x3FA0]  }
0x1a: {  	s8 =	sadd.s32 $0xFFFFE003, lr  }
0x1b: {  	s9 =	sadd.s32 $0xFFFFFEF7, lr;
	s5 =	simm.s32 $0xFFFFFFFF;
	p2 =	slt.u32 s8, $0xFFFFF086  }
0x1c: {  	p1 =	slt.u32 s9, $0xF7A;
	s5 =	simm.s32 @!p2 $0x0  }
0x1d: {  	s5 =	simm.s32 @p1 $0x1;
	p0 =	seq.s32 s7, s2  }
0x1e: {  	s7 =	smul.u32 @!p0 $0xF7A, s2;
	p2 =	seq.s32 @!p0 s5, $0x0  }
0x1f: {  	s9 =	smul.u32 $0xF7A, s1;
	s8 =	simm.s32 @!p0 $0x1BF5;
	p2 =	por !p2, p0  }
0x20: {  	[sflag:s8] =	ssyncset.s32 @!p0 $0xFFFFF086;
	s6 =	sadd.s32 @!p0 s3, s7;
	s7 =	simm.s32 @!p0 $0x108  }
0x21: {  	s3 =	sadd.s32 s3, s9;
	s6 =	sadd.s32 @!p0 $0x88, s6;
	s7 =	simm.s32 @p2 $0x1082  }
0x22: {  	[simem:s7], [sflag:s8] =	dma.local @!p0 [hbm:s6], $0xF7A  }
0x23: {  	s9 =	sor.u32 $0xD0000000, s2;
	s6 =	simm.s32 $0x108;
	_ =	swait.ge @!p0 [sflag:s8], $0x0  }
0x24: {  	s3 =	sadd.s32 $0x88, s3;
	s6 =	simm.s32 @!p1 $0x1082;
	[sflag:s4] =	ssyncset.s32 $0xFFFFF086  }
0x25: {  	[simem:s6], [sflag:s4] =	dma.local [hbm:s3], $0xF7A  }
0x26: {  	[smem:$0x3FA0] =	sst s1;
	(tag) =	ssettag s2;
	_ =	strace s9  }
0x27: {  	s1 =	sld [smem:$0x3FB0]  }
0x28: {  	s2 =	sld [smem:$0x3FB1]  }
0x29: {  	s4 =	sld [smem:$0x3FB3]  }
0x2a: {  	p0 =	seq.s32 s5, $0x0;
	s5 =	sld [smem:$0x3FB4]  }
0x2b: {  	s6 =	sld [smem:$0x3FB5]  }
0x2c: {  	s7 =	sld [smem:$0x3FB6]  }
0x2d: {  	s3 =	simm.s32 $0x108;
	s8 =	sld [smem:$0x3FB7]  }
0x2e: {  	s3 =	simm.s32 @!p0 $0x1082;
	s9 =	sld [smem:$0x3FB8]  }
0x2f: {  	lr =	sadd.s32 s0, s3;
	s0 =	sld [smem:$0x3FAF]  }
0x30: {  	s3 =	sld [smem:$0x3FB2]  }
0x31: {  	[smem:$0x3FBB] =	sst s10  }
0x32: {  	s10 =	sld [smem:$0x3FB9];
	_ =	sdelay $0x3  }
0x33: {  	p0 =	seq.s32 s10, $0x1;
	s10 =	sld [smem:$0x3FBB];
	_ =	sdelay $0x3  }
0x34: {  	[smem:$0x3FBB] =	sst s10  }
0x35: {  	s10 =	sld [smem:$0x3FBA];
	_ =	sdelay $0x3  }
0x36: {  	p1 =	seq.s32 s10, $0x1;
	s10 =	sld [smem:$0x3FBB];
	_ =	sdelay $0x3  }
0x37: {  	[smem:$0x3FBB] =	sst s10  }
0x38: {  	s10 =	sld [smem:$0x3FBC]  }
0x39: {  	_ = 	snop;
	(pc) =	sbr.ind lr, $3  }
0x3a: {  	_ = 	snop  }
0x3b: {  	_ = 	snop  }
0x3c: {  	p2 =	seq.s32 s10, $0x1;
	s10 =	sld [smem:$0x3FBB]  }
0x3d: {  	_ =	shalt  }
0x3e: {  	_ =	shalt  }
0x3f: {  	_ =	shalt  }
0x40: {  	_ =	shalt  }
0x41: {  	_ =	shalt  }
0x42: {  	_ =	shalt  }
0x43: {  	_ =	shalt  }
0x44: {  	_ =	shalt  }
0x45: {  	_ =	shalt  }
0x46: {  	_ =	shalt  }
0x47: {  	_ =	shalt  }
0x48: {  	_ =	shalt  }
0x49: {  	_ =	shalt  }
0x4a: {  	_ =	shalt  }
0x4b: {  	_ =	shalt  }
0x4c: {  	_ =	shalt  }
0x4d: {  	_ =	shalt  }
0x4e: {  	_ =	shalt  }
0x4f: {  	_ =	shalt  }
0x50: {  	_ =	shalt  }
0x51: {  	_ =	shalt  }
0x52: {  	_ =	shalt  }
0x53: {  	_ =	shalt  }
0x54: {  	_ =	shalt  }
0x55: {  	_ =	shalt  }
0x56: {  	_ =	shalt  }
0x57: {  	_ =	shalt  }
0x58: {  	_ =	shalt  }
0x59: {  	_ =	shalt  }
0x5a: {  	_ =	shalt  }
0x5b: {  	_ =	shalt  }
0x5c: {  	_ =	shalt  }
0x5d: {  	_ =	shalt  }
0x5e: {  	_ =	shalt  }
0x5f: {  	_ =	shalt  }
0x60: {  	_ =	shalt  }
0x61: {  	_ =	shalt  }
0x62: {  	_ =	shalt  }
0x63: {  	_ =	shalt  }
0x64: {  	_ =	shalt  }
0x65: {  	_ =	shalt  }
0x66: {  	_ =	shalt  }
0x67: {  	_ =	shalt  }
0x68: {  	_ =	shalt  }
0x69: {  	_ =	shalt  }
0x6a: {  	_ =	shalt  }
0x6b: {  	_ =	shalt  }
0x6c: {  	_ =	shalt  }
0x6d: {  	_ =	shalt  }
0x6e: {  	_ =	shalt  }
0x6f: {  	_ =	shalt  }
0x70: {  	_ =	shalt  }
0x71: {  	_ =	shalt  }
0x72: {  	_ =	shalt  }
0x73: {  	_ =	shalt  }
0x74: {  	_ =	shalt  }
0x75: {  	_ =	shalt  }
0x76: {  	_ =	shalt  }
0x77: {  	_ =	shalt  }
0x78: {  	_ =	shalt  }
0x79: {  	_ =	shalt  }
0x7a: {  	_ =	shalt  }
0x7b: {  	_ =	shalt  }
0x7c: {  	_ =	shalt  }
0x7d: {  	_ =	shalt  }
0x7e: {  	_ =	shalt  }
0x7f: {  	_ =	shalt  }
0x80: {  	_ =	shalt  }
0x81: {  	_ =	shalt  }
0x82: {  	_ =	shalt  }
0x83: {  	_ =	shalt  }
0x84: {  	_ =	shalt  }
0x85: {  	_ =	shalt  }
0x86: {  	_ =	shalt  }
0x87: {  	_ =	shalt  }
.Lfunc_end0:
.L_simem_size_0:
called_computation_lowered:
.L_overlay_start_0:
0x88: {  	s2 =	sld [smem:$0x3FD9]  }
0x89: {  	s3 =	sld [smem:$0x3FFE];
	_ =	sdelay $0x1  }
0x8a: {  	s1 =	srdreg.scid  }
0x8b: {  	s0 =	sand.u32 $0x1, s1  }
0x8c: {  	s18 =	sshll.u32 s0, $0xA;
	s2 =	sadd.s32 s3, s2  }
0x8d: {  	s2 =	sadd.s32 s2, s18  }
0x8e: {  	[smem:$0x3FC7] =	sst s2  }
0x8f: {  	_ = 	snop  }
0x90: {  	s2 =	sld [smem:$0x3FC9]  }
0x91: {  	s19 =	sld [smem:$0x3FD0];
	(tm) =	ssettm $0x1  }
0x92: {  	s4 =	sld [smem:$0x3FFB];
	_ =	sdelay $0x3  }
0x93: {  	_ =	strace s4  }
0x94: {  	s4 =	sld [smem:$0x3FFC];
	_ =	sdelay $0x3  }
0x95: {  	_ =	strace s4  }
0x96: {  	s4 =	sld [smem:$0x3FFD];
	_ =	sdelay $0x3  }
0x97: {  	_ =	strace s4  }
0x98: {  	_ =	strace $0x8FFFFFFF  }
0x99: {  	s20 =	sld [smem:$0x3FDB];
	_ =	sdelay $0x1  }
0x9a: {  	s5 =	simm.s32 $_scs_section_size  }
0x9b: {  	s6 =	simm.s32 $_size__tile_overlayer_lowered;
	s7 =	simm.s32 $_tile_overlayer_lowered  }
0x9c: {  	s23 =	simm.s32 $0x1BFF;
	s22 =	sshll.u32 s7, $0x1;
	s4 =	sadd.s32 s5, s20  }
0x9d: {  	s8 =	simm.s32 $0x0;
	s21 =	sshll.u32 s6, $0x1;
	s6 =	sadd.s32 s22, s4  }
0x9e: {  	[timem:s8], [sflag:s23] =	dma.local [hbm:s6], s21  }
0x9f: {  	_ =	swait.ge [sflag:s23], s21  }
0xa0: {  	s5 =	ssub.s32 $0x0, s21;
	[sflag:s23] =	ssyncset.done $0x0  }
0xa1: {  	[sflag:s23] =	ssyncadd.s32 s5;
	_ =	sdelay $0x1  }
0xa2: {  	s24 =	simm.s32 $0x1B8B  }
0xa3: {  	_ =	swait.ge [sflag:s24], $0x1  }
0xa4: {  	[sflag:s24] =	ssyncset.done $0x0  }
0xa5: {  	s25 =	simm.s32 $0x1B8E;
	[sflag:s24] =	ssyncadd.s32 $0xFFFFFFFF  }
0xa6: {  	s26 =	simm.s32 $execute0_lowered;
	[smem:$0x3FD2] =	sst s25  }
0xa7: {  	s5 =	sshll.u32 s26, $0x1;
	_ =	strace $0x80000046;
	[dreg:$0x1] =	wrdreg $0xFFFFFFFF  }
0xa8: {  	s28 =	simm.s32 $_size_execute0_lowered;
	s4 =	sadd.s32 s4, s5;
	[dreg:$0x0] =	wrdreg $0x0  }
0xa9: {  	s5 =	sshll.u32 s28, $0x1;
	[dreg:$0x2] =	wrdreg s4  }
0xaa: {  	[dreg:$0x3] =	wrdreg s5  }
0xab: {  	[dreg:$0x4] =	wrdreg $0xC0  }
0xac: {  	_ =	task [dreg:s8], $0x5FFFF  }
0xad: {  	[dreg:$0x1] =	wrdreg $0xFFFFFFFF  }
0xae: {  	[dreg:$0x0] =	wrdreg $0x60  }
0xaf: {  	[dreg:$0x2] =	wrdreg s2  }
0xb0: {  	[dreg:$0x3] =	wrdreg s19  }
0xb1: {  	[dreg:$0x4] =	wrdreg $0x9  }
0xb2: {  	_ =	task.clear_ibuf [dreg:s8], $0x5FFFF;
	_ =	strace $0x90000046  }
0xb3: {  	s29 =	simm.s32 $0x9;
	_ =	strace $0x80000048  }
0xb4: {  	_ =	swait.ge [sflag:s29], $0x1  }
0xb5: {  	[sflag:s29] =	ssyncadd.s32 $0xFFFFFFFF  }
0xb6: {  	_ =	strace $0x90000048  }
0xb7: {  	_ =	sfence  }
0xb8: {  	s30 =	sld [smem:$0x0];
	_ =	sdelay $0x2  }
0xb9: {  	s31 =	sshll.u32 s1, $0xD;
	s1 =	sshrl.u32 s1, $0x2  }
0xba: {  	s3 =	sand.u32 $0x4000, s31;
	s1 =	sadd.s32 s1, s30  }
0xbb: {  	s0 =	sor.u32 s3, s0;
	s1 =	sshll.u32 s1, $0x11  }
0xbc: {  	s0 =	sor.u32 s1, s0  }
0xbd: {  	s0 =	sadd.s32 $0x8F2B, s0  }
0xbe: {  	[sflag:s0] =	ssyncadd.remote.s32 $0x1  }
0xbf: {  	_ =	sfence.sel $0xFFFF  }
0xc0: {  	[dreg:$0x0] =	wrdreg $0xFFFFFFFF;
	(pc) =	sbr.abs _section_cstart, $3  }
0xc1: {  	[dreg:$0x1] =	wrdreg $0xFFFFFFFF  }
0xc2: {  	_ =	task.clear_ibuf [dreg:s8], $0x2FFFF;
	_ =	strace $0x9FFFFFFF  }
0xc3: {  	(tm) =	ssettm $0x7FFFFFFF  }
tec
execute0_lowered:
.L_overlay_start_1:
0x0: {  	(tag) =	ssettag $0x1  }
0x1: {  	s0 =	srdreg.scid  }
0x2: {  	s2 =	rddreg [dreg:$0x0];
	s0 =	sand.u32 $0x1, s0  }
0x3: {  	s1 =	stileid.u32;
	s5 =	sshll.u32 s0, $0x14;
	s0 =	ssub.s32 $0x2, s0  }
0x4: {  	s3 =	rddreg [dreg:$0x1];
	s1 =	sshll.u32 s1, $0x15;
	s13 =	sshrl.u32 s0, $0x1  }
0x5: {  	s4 =	simm.s32 $0x0;
	s5 =	sor.u32 s5, s1;
	s0 =	ssub.s32 s0, s13  }
0x6: {  	[smem:$0x7FF] =	sst s4;
	s6 =	sshrl.u32 s5, $0x3;
	s0 =	smax.u32 s0, $0x1  }
0x7: {  	_ =	strace $0x80000047;
	s14 =	sadd.s32 s2, s6;
	[dreg:$0x4] =	wrdreg s0  }
0x8: {  	s15 =	sadd.s32 $0x2000, s14;
	[dreg:$0x3] =	wrdreg s14  }
0x9: {  	s16 =	sadd.s32 $0x4000, s14;
	[dreg:$0x5] =	wrdreg s15  }
0xa: {  	s17 =	sadd.s32 $0x6000, s14;
	[dreg:$0x6] =	wrdreg s16  }
0xb: {  	s18 =	sadd.s32 $0x8000, s14;
	[dreg:$0x7] =	wrdreg s17  }
0xc: {  	s19 =	sadd.s32 $0xA000, s14;
	[dreg:$0x8] =	wrdreg s18  }
0xd: {  	s31 =	simm.s32 $0x1;
	s20 =	sadd.s32 $0xC000, s14;
	[dreg:$0x9] =	wrdreg s19  }
0xe: {  	s8 =	simm.s32 $0x2;
	s21 =	sadd.s32 $0xE000, s14;
	[dreg:$0xa] =	wrdreg s20  }
0xf: {  	s9 =	simm.s32 $0xC180;
	s22 =	sadd.s32 $0x10000, s14;
	[dreg:$0xb] =	wrdreg s21  }
0x10: {  	s12 =	simm.s32 $0xCD98;
	s23 =	sadd.s32 $0x12000, s14;
	[dreg:$0xc] =	wrdreg s22  }
0x11: {  	s11 =	simm.s32 $0x0;
	s24 =	sadd.s32 $0x14000, s14;
	[dreg:$0xd] =	wrdreg s23  }
0x12: {  	s1 =	simm.s32 $0xFDF8;
	s25 =	sadd.s32 $0x16000, s14;
	[dreg:$0xe] =	wrdreg s24  }
0x13: {  	v0 =	vlaneseq.u32;
	s7 =	sor.u32 $0x800, s5;
	s26 =	sadd.s32 $0x18000, s14;
	[dreg:$0xf] =	wrdreg s25  }
0x14: {  	v0 =	vmul.u32 $0x408, v0;
	s13 =	simm.s32 $0xD1A0;
	s28 =	sadd.s32 $0x1A000, s14;
	[dreg:$0x10] =	wrdreg s26  }
0x15: {  	s6 =	simm.s32 $0xF9F0;
	s29 =	sadd.s32 $0x1C000, s14;
	[dreg:$0x11] =	wrdreg s28  }
0x16: {  	v1 =	vadd.s32 $0x80, v0;
	v2 =	vadd.s32 $0x100, v0;
	s30 =	sadd.s32 $0x1E000, s14;
	s0 =	simm.s32 $0x4080;
	[dreg:$0x12] =	wrdreg s29  }
0x17: {  	v3 =	vadd.s32 $0x180, v0;
	v4 =	vadd.s32 $0x200, v0;
	v5 =	vadd.s32 $0x280, v0;
	s14 =	simm.s32 $0xD5A8;
	[dreg:$0x13] =	wrdreg s30;
	s16 =	simm.s32 $0x8100  }
0x18: {  	v6 =	vadd.s32 $0x300, v0;
	v7 =	vadd.s32 $0x380, v0;
	v8 =	vadd.s32 $0x81, v0;
	s15 =	simm.s32 $0xD9B0;
	s17 =	simm.s32 $0xDDB8;
	s18 =	simm.s32 $0xE1C0  }
0x19: {  	v9 =	vadd.s32 $0x101, v0;
	v10 =	vadd.s32 $0x181, v0;
	v11 =	vadd.s32 $0x201, v0;
	s19 =	simm.s32 $0xE5C8;
	s20 =	simm.s32 $0xE9D0;
	s21 =	simm.s32 $0xEDD8  }
0x1a: {  	v12 =	vadd.s32 $0x281, v0;
	v13 =	vadd.s32 $0x301, v0;
	v14 =	vadd.s32 $0x381, v0;
	s22 =	simm.s32 $0xF1E0;
	s23 =	simm.s32 $0xF5E8;
	s24 =	simm.s32 $0x4  }
.LBB2_1:
0x1b: {  	[dreg:$0x14] =	wrdreg s11  }
0x1c: {  	s10 =	rddreg [dreg:$0x3]  }
0x1d: {  	[tilespmem:s4], [sflag:$0x1] =	stream.linear.gather [hbm4b:s10+s4], $0x400, $0x38;
	[tilespmem:$0x10200] =	vst v63  }
0x1e: {  	s11 =	rddreg [dreg:$0x5];
	s25 =	simm.s32 $0x408  }
0x1f: {  	[tilespmem:s25], [sflag:$0x1] =	stream.linear.gather [hbm4b:s11+s4], $0x400, $0x38;
	[tilespmem:$0x10200] =	vst v63  }
0x20: {  	s26 =	simm.s32 $0x810;
	s25 =	rddreg [dreg:$0x6]  }
0x21: {  	[tilespmem:s26], [sflag:$0x1] =	stream.linear.gather [hbm4b:s25+s4], $0x400, $0x38;
	[tilespmem:$0x10200] =	vst v63  }
0x22: {  	s28 =	rddreg [dreg:$0x7];
	s29 =	simm.s32 $0xC18  }
0x23: {  	[tilespmem:s29], [sflag:$0x1] =	stream.linear.gather [hbm4b:s28+s4], $0x400, $0x38;
	[tilespmem:$0x10200] =	vst v63  }
0x24: {  	s30 =	rddreg [dreg:$0x8];
	s11 =	simm.s32 $0x1020  }
0x25: {  	[tilespmem:s11], [sflag:$0x1] =	stream.linear.gather [hbm4b:s30+s4], $0x400, $0x38;
	[tilespmem:$0x10200] =	vst v63  }
0x26: {  	s25 =	rddreg [dreg:$0x9];
	s26 =	simm.s32 $0x1428  }
0x27: {  	[tilespmem:s26], [sflag:$0x1] =	stream.linear.gather [hbm4b:s25+s4], $0x400, $0x38;
	[tilespmem:$0x10200] =	vst v63  }
0x28: {  	s28 =	rddreg [dreg:$0xa];
	s29 =	simm.s32 $0x1830  }
0x29: {  	[tilespmem:s29], [sflag:$0x1] =	stream.linear.gather [hbm4b:s28+s4], $0x400, $0x38;
	[tilespmem:$0x10200] =	vst v63  }
0x2a: {  	s30 =	rddreg [dreg:$0xb];
	s11 =	simm.s32 $0x1C38  }
0x2b: {  	[tilespmem:s11], [sflag:$0x1] =	stream.linear.gather [hbm4b:s30+s4], $0x400, $0x38;
	[tilespmem:$0x10200] =	vst v63  }
0x2c: {  	s25 =	rddreg [dreg:$0xc];
	s26 =	simm.s32 $0x2040  }
0x2d: {  	[tilespmem:s26], [sflag:$0x1] =	stream.linear.gather [hbm4b:s25+s4], $0x400, $0x38;
	[tilespmem:$0x10200] =	vst v63  }
0x2e: {  	s28 =	rddreg [dreg:$0xd];
	s29 =	simm.s32 $0x2448  }
0x2f: {  	[tilespmem:s29], [sflag:$0x1] =	stream.linear.gather [hbm4b:s28+s4], $0x400, $0x38;
	[tilespmem:$0x10200] =	vst v63  }
0x30: {  	s30 =	rddreg [dreg:$0xe];
	s11 =	simm.s32 $0x2850  }
0x31: {  	[tilespmem:s11], [sflag:$0x1] =	stream.linear.gather [hbm4b:s30+s4], $0x400, $0x38;
	[tilespmem:$0x10200] =	vst v63  }
0x32: {  	s25 =	rddreg [dreg:$0xf];
	s26 =	simm.s32 $0x2C58  }
0x33: {  	[tilespmem:s26], [sflag:$0x1] =	stream.linear.gather [hbm4b:s25+s4], $0x400, $0x38;
	[tilespmem:$0x10200] =	vst v63  }
0x34: {  	s28 =	rddreg [dreg:$0x10];
	s29 =	simm.s32 $0x3060  }
0x35: {  	[tilespmem:s29], [sflag:$0x1] =	stream.linear.gather [hbm4b:s28+s4], $0x400, $0x38;
	[tilespmem:$0x10200] =	vst v63  }
0x36: {  	s30 =	rddreg [dreg:$0x11];
	s11 =	simm.s32 $0x3468  }
0x37: {  	[tilespmem:s11], [sflag:$0x1] =	stream.linear.gather [hbm4b:s30+s4], $0x400, $0x38;
	[tilespmem:$0x10200] =	vst v63  }
0x38: {  	s26 =	rddreg [dreg:$0x12];
	s28 =	simm.s32 $0x3870  }
0x39: {  	v33 =	vimm.f32 $0.0e+00;
	v15 =	vimm.f32 $0.0e+00;
	[tilespmem:s28], [sflag:$0x1] =	stream.linear.gather [hbm4b:s26+s4], $0x400, $0x38;
	[tilespmem:$0x10200] =	vst v63  }
0x3a: {  	v25 =	vimm.f32 $0.0e+00;
	v24 =	vimm.f32 $0.0e+00;
	v26 =	vimm.f32 $0.0e+00;
	s25 =	simm.s32 $0x0;
	s29 =	rddreg [dreg:$0x13];
	s30 =	simm.s32 $0x3C78  }
0x3b: {  	v29 =	vimm.f32 $0.0e+00;
	v30 =	vimm.f32 $0.0e+00;
	v27 =	vimm.f32 $0.0e+00;
	[tilespmem:s30], [sflag:$0x1] =	stream.linear.gather [hbm4b:s29+s4], $0x400, $0x38;
	[tilespmem:$0x10200] =	vst v63  }
.LBB2_2:
0x3c: {  	s28 =	sshll.u32 s25, $0xB  }
0x3d: {  	s26 =	sor.u32 s28, s5  }
0x3e: {  	_ =	swait.ge [sflag:s31], $0x4000;
	s29 =	sshrl.u32 s26, $0x3  }
0x3f: {  	[sflag:s31] =	ssyncset.done $0x0;
	s26 =	sor.u32 $0x80, s29  }
0x40: {  	[sflag:s31] =	ssyncadd.s32 $0xFFFFC000;
	s30 =	sadd.s32 s2, s26  }
0x41: {  	[tilespmem:s0], [sflag:$0x2] =	stream.linear.gather [hbm4b:s30+s4], $0x400, $0x38;
	[tilespmem:$0x10200] =	vst v63  }
0x42: {  	s11 =	simm.s32 $0x4488;
	s10 =	sadd.s32 $0x2000, s30  }
0x43: {  	[tilespmem:s11], [sflag:$0x2] =	stream.linear.gather [hbm4b:s10+s4], $0x400, $0x38;
	[tilespmem:$0x10200] =	vst v63  }
0x44: {  	s10 =	sadd.s32 $0x4000, s30;
	s11 =	simm.s32 $0x4890  }
0x45: {  	[tilespmem:s11], [sflag:$0x2] =	stream.linear.gather [hbm4b:s10+s4], $0x400, $0x38;
	[tilespmem:$0x10200] =	vst v63  }
0x46: {  	s10 =	sadd.s32 $0x6000, s30;
	s11 =	simm.s32 $0x4C98  }
0x47: {  	[tilespmem:s11], [sflag:$0x2] =	stream.linear.gather [hbm4b:s10+s4], $0x400, $0x38;
	[tilespmem:$0x10200] =	vst v63  }
0x48: {  	s10 =	sadd.s32 $0x8000, s30;
	s11 =	simm.s32 $0x50A0  }
0x49: {  	[tilespmem:s11], [sflag:$0x2] =	stream.linear.gather [hbm4b:s10+s4], $0x400, $0x38;
	[tilespmem:$0x10200] =	vst v63  }
0x4a: {  	s10 =	sadd.s32 $0xA000, s30;
	s11 =	simm.s32 $0x54A8  }
0x4b: {  	[tilespmem:s11], [sflag:$0x2] =	stream.linear.gather [hbm4b:s10+s4], $0x400, $0x38;
	[tilespmem:$0x10200] =	vst v63  }
0x4c: {  	s10 =	sadd.s32 $0xC000, s30;
	s11 =	simm.s32 $0x58B0  }
0x4d: {  	[tilespmem:s11], [sflag:$0x2] =	stream.linear.gather [hbm4b:s10+s4], $0x400, $0x38;
	[tilespmem:$0x10200] =	vst v63  }
0x4e: {  	s10 =	sadd.s32 $0xE000, s30;
	s11 =	simm.s32 $0x5CB8  }
0x4f: {  	[tilespmem:s11], [sflag:$0x2] =	stream.linear.gather [hbm4b:s10+s4], $0x400, $0x38;
	[tilespmem:$0x10200] =	vst v63  }
0x50: {  	s10 =	sadd.s32 $0x10000, s30;
	s11 =	simm.s32 $0x60C0  }
0x51: {  	[tilespmem:s11], [sflag:$0x2] =	stream.linear.gather [hbm4b:s10+s4], $0x400, $0x38;
	[tilespmem:$0x10200] =	vst v63  }
0x52: {  	s10 =	sadd.s32 $0x12000, s30;
	s11 =	simm.s32 $0x64C8  }
0x53: {  	[tilespmem:s11], [sflag:$0x2] =	stream.linear.gather [hbm4b:s10+s4], $0x400, $0x38;
	[tilespmem:$0x10200] =	vst v63  }
0x54: {  	s10 =	sadd.s32 $0x14000, s30;
	s11 =	simm.s32 $0x68D0  }
0x55: {  	[tilespmem:s11], [sflag:$0x2] =	stream.linear.gather [hbm4b:s10+s4], $0x400, $0x38;
	[tilespmem:$0x10200] =	vst v63  }
0x56: {  	s10 =	sadd.s32 $0x16000, s30;
	s11 =	simm.s32 $0x6CD8  }
0x57: {  	[tilespmem:s11], [sflag:$0x2] =	stream.linear.gather [hbm4b:s10+s4], $0x400, $0x38;
	[tilespmem:$0x10200] =	vst v63  }
0x58: {  	s10 =	sadd.s32 $0x18000, s30;
	s11 =	simm.s32 $0x70E0  }
0x59: {  	[tilespmem:s11], [sflag:$0x2] =	stream.linear.gather [hbm4b:s10+s4], $0x400, $0x38;
	[tilespmem:$0x10200] =	vst v63  }
0x5a: {  	s10 =	sadd.s32 $0x1A000, s30;
	s11 =	simm.s32 $0x74E8  }
0x5b: {  	[tilespmem:s11], [sflag:$0x2] =	stream.linear.gather [hbm4b:s10+s4], $0x400, $0x38;
	[tilespmem:$0x10200] =	vst v63  }
0x5c: {  	s10 =	sadd.s32 $0x1C000, s30;
	s11 =	simm.s32 $0x78F0  }
0x5d: {  	[tilespmem:s11], [sflag:$0x2] =	stream.linear.gather [hbm4b:s10+s4], $0x400, $0x38;
	[tilespmem:$0x10200] =	vst v63  }
0x5e: {  	v16 =	vimm.s32 $0x0;
	p0 =	seq.s32 s25, $0x0;
	s10 =	sadd.s32 $0x1E000, s30;
	s11 =	simm.s32 $0x7CF8  }
0x5f: {  	v32 =	vadd.s32 v8, v16;
	v22 =	vand.u32 $0xFFFFFFFE, v16;
	[tilespmem:s11], [sflag:$0x2] =	stream.linear.gather [hbm4b:s10+s4], $0x400, $0x38;
	[tilespmem:$0x10200] =	vst v63  }
0x60: {  	v37 =	vadd.s32 v0, v22;
	s10 =	simm.s32 @!p0 $0x3  }
0x61: {  	v18 =	vadd.s32 v3, v22;
	_ =	swait.ge @!p0 [sflag:s10], $0x4000  }
0x62: {  	v42 =	vadd.s32 v1, v22;
	[sflag:s10] =	ssyncset.done @!p0 $0x0  }
0x63: {  	v45 =	vor.u32 $0x1, v37;
	[sflag:s10] =	ssyncadd.s32 @!p0 $0xFFFFC000  }
0x64: {  	v52 =	vadd.s32 v2, v22;
	v34 =	vld.idx.msk [tilespmem:v32+s4+$0x0], $0xffff  }
0x65: {  	v23 =	vadd.s32 v11, v16;
	v31 =	vld.idx.msk [tilespmem:v37+s4+$0x0], $0xffff  }
0x66: {  	v19 =	vadd.s32 v4, v22;
	v39 =	vld.idx.msk [tilespmem:v18+s4+$0x0], $0xffff  }
0x67: {  	v28 =	vadd.s32 v10, v16;
	v35 =	vld.idx.msk [tilespmem:v42+s4+$0x0], $0xffff  }
0x68: {  	v20 =	vadd.s32 v5, v22;
	v40 =	vld.idx.msk [tilespmem:v45+s4+$0x0], $0xffff  }
0x69: {  	v21 =	vadd.s32 v7, v22;
	v44 =	vld.idx.msk [tilespmem:v52+s4+$0x0], $0xffff  }
0x6a: {  	v17 =	vadd.s32 v13, v16;
	v43 =	vld.idx.msk [tilespmem:v23+s4+$0x0], $0xffff  }
0x6b: {  	v22 =	vadd.s32 v6, v22;
	v48 =	vld.idx.msk [tilespmem:v19+s4+$0x0], $0xffff  }
0x6c: {  	v36 =	vadd.s32 v14, v16;
	v50 =	vld.idx.msk [tilespmem:v28+s4+$0x0], $0xffff  }
0x6d: {  	v38 =	vadd.s32 v9, v16;
	v53 =	vld.idx.msk [tilespmem:v20+s4+$0x0], $0xffff;
	v46 =	vadd.f32 v31, v27  }
0x6e: {  	v54 =	vld.idx.msk [tilespmem:v21+s4+$0x0], $0xffff;
	v31 =	vadd.s32 v12, v16;
	v27 =	vadd.s32 $0x2, v16;
	v30 =	vadd.f32 v35, v30  }
0x6f: {  	v41 =	vld.idx.msk [tilespmem:v17+s4+$0x0], $0xffff;
	v49 =	vadd.f32 v44, v29;
	v39 =	vadd.f32 v39, v26;
	v16 =	vadd.s32 v8, v27  }
0x70: {  	v47 =	vld.idx.msk [tilespmem:v22+s4+$0x0], $0xffff;
	v35 =	vadd.f32 v40, v46;
	v34 =	vadd.f32 v34, v30;
	[tilespmem:v37+s16+$0x0] =	vst.idx.msk $0xffff, v46  }
0x71: {  	v44 =	vadd.s32 $0x2, v27;
	v46 =	vld.idx.msk [tilespmem:v36+s4+$0x0], $0xffff;
	v40 =	vadd.f32 v48, v24;
	v48 =	vand.u32 $0xFFFFFFFE, v27;
	[tilespmem:v42+s16+$0x0] =	vst.idx.msk $0xffff, v30  }
0x72: {  	v51 =	vld.idx.msk [tilespmem:v38+s4+$0x0], $0xffff;
	v30 =	vadd.f32 v50, v39;
	v29 =	vadd.s32 v0, v48;
	v26 =	vadd.s32 v1, v48  }
0x73: {  	v42 =	vadd.s32 v2, v48;
	v37 =	vadd.s32 v3, v48;
	[tilespmem:v52+s16+$0x0] =	vst.idx.msk $0xffff, v49;
	v50 =	vld.idx.msk [tilespmem:v31+s4+$0x0], $0xffff  }
0x74: {  	s30 =	simm.s32 $0x2;
	v24 =	vor.u32 $0x1, v29;
	[tilespmem:v45+s16+$0x0] =	vst.idx.msk $0xffff, v35;
	v45 =	vadd.f32 v53, v25;
	v25 =	vadd.f32 v54, v33  }
.LBB2_3:
0x75: {  	v33 =	vadd.s32 v8, v44;
	s30 =	sadd.s32 $0x2, s30;
	v47 =	vadd.f32 v47, v15;
	v52 =	vadd.f32 v43, v40;
	v53 =	vmovc v36  }
0x76: {  	v36 =	vadd.s32 v11, v27;
	p0 =	slt.u32 s30, $0x7E;
	v54 =	vld.idx.msk [tilespmem:v16+s4+$0x0], $0xffff;
	v55 =	vadd.f32 v46, v25;
	[tilespmem:v32+s16+$0x0] =	vst.idx.msk $0xffff, v34  }
0x77: {  	v56 =	vadd.s32 v4, v48;
	v43 =	vadd.s32 v9, v27;
	v49 =	vadd.f32 v51, v49;
	v46 =	vld.idx.msk [tilespmem:v29+s4+$0x0], $0xffff  }
0x78: {  	v57 =	vadd.s32 v5, v48;
	v58 =	vadd.s32 v10, v27;
	v59 =	vadd.f32 v50, v45;
	v51 =	vld.idx.msk [tilespmem:v37+s4+$0x0], $0xffff  }
0x79: {  	v60 =	vadd.s32 v6, v48;
	v48 =	vadd.s32 v7, v48;
	v50 =	vld.idx.msk [tilespmem:v26+s4+$0x0], $0xffff;
	[tilespmem:v38+s16+$0x0] =	vst.idx.msk $0xffff, v49  }
0x7a: {  	v32 =	vmov v16;
	v16 =	vmov v33;
	v15 =	vadd.f32 v41, v47;
	v61 =	vld.idx.msk [tilespmem:v24+s4+$0x0], $0xffff;
	[tilespmem:v28+s16+$0x0] =	vst.idx.msk $0xffff, v30  }
0x7b: {  	v62 =	vmovc v42;
	v38 =	vmov v43;
	v28 =	vmov v58;
	v33 =	vld.idx.msk [tilespmem:v42+s4+$0x0], $0xffff;
	[tilespmem:v23+s16+$0x0] =	vst.idx.msk $0xffff, v52;
	v23 =	vmov v36  }
0x7c: {  	v42 =	vadd.s32 v13, v27;
	v43 =	vld.idx.msk [tilespmem:v36+s4+$0x0], $0xffff;
	[tilespmem:v31+s16+$0x0] =	vst.idx.msk $0xffff, v59  }
0x7d: {  	v46 =	vadd.f32 v46, v35;
	v31 =	vadd.s32 v12, v27;
	v63 =	vld.idx.msk [tilespmem:v56+s4+$0x0], $0xffff;
	[tilespmem:v18+s16+$0x0] =	vst.idx.msk $0xffff, v39  }
0x7e: {  	v36 =	vadd.s32 v14, v27;
	v18 =	vmov v37;
	v58 =	vld.idx.msk [tilespmem:v58+s4+$0x0], $0xffff;
	[tilespmem:v19+s16+$0x0] =	vst.idx.msk $0xffff, v40;
	v19 =	vmov v56  }
0x7f: {  	v27 =	vmov v44;
	v37 =	vadd.f32 v50, v34;
	v56 =	vld.idx.msk [tilespmem:v57+s4+$0x0], $0xffff;
	[tilespmem:v20+s16+$0x0] =	vst.idx.msk $0xffff, v45;
	v20 =	vmov v57  }
0x80: {  	v35 =	vadd.f32 v61, v46;
	v57 =	vld.idx.msk [tilespmem:v48+s4+$0x0], $0xffff;
	[tilespmem:v22+s16+$0x0] =	vst.idx.msk $0xffff, v47;
	v22 =	vmov v60  }
0x81: {  	v39 =	vadd.f32 v51, v30;
	v49 =	vadd.f32 v33, v49;
	v41 =	vld.idx.msk [tilespmem:v42+s4+$0x0], $0xffff;
	[tilespmem:v21+s16+$0x0] =	vst.idx.msk $0xffff, v25  }
0x82: {  	v34 =	vadd.f32 v54, v37;
	v21 =	vmov v48;
	v47 =	vld.idx.msk [tilespmem:v60+s4+$0x0], $0xffff;
	[tilespmem:v17+s16+$0x0] =	vst.idx.msk $0xffff, v15;
	v17 =	vmov v42  }
.Ltmp0:
0x83: {  	v40 =	vadd.f32 v63, v52;
	[tilespmem:v29+s16+$0x0] =	vst.idx.msk $0xffff, v46;
	v46 =	vld.idx.msk [tilespmem:v36+s4+$0x0], $0xffff;
	(pc) =	sbr.rel @p0 .LBB2_3-.Ltmp0, $4  }
0x84: {  	v48 =	vand.u32 $0xFFFFFFFE, v44;
	v30 =	vadd.f32 v58, v39;
	[tilespmem:v26+s16+$0x0] =	vst.idx.msk $0xffff, v37;
	v51 =	vld.idx.msk [tilespmem:v38+s4+$0x0], $0xffff  }
0x85: {  	v29 =	vadd.s32 v0, v48;
	v26 =	vadd.s32 v1, v48;
	v50 =	vld.idx.msk [tilespmem:v31+s4+$0x0], $0xffff;
	[tilespmem:v53+s16+$0x0] =	vst.idx.msk $0xffff, v55  }
0x86: {  	v44 =	vadd.s32 $0x2, v44;
	v42 =	vadd.s32 v2, v48;
	v37 =	vadd.s32 v3, v48;
	[tilespmem:v24+s16+$0x0] =	vst.idx.msk $0xffff, v35  }
0x87: {  	v45 =	vadd.f32 v56, v59;
	v25 =	vadd.f32 v57, v55;
	v24 =	vor.u32 $0x1, v29;
	[tilespmem:v62+s16+$0x0] =	vst.idx.msk $0xffff, v49  }
0x88: {  	_ =	sdelay $0x3  }
0x89: {  	v33 =	vld.idx.msk [tilespmem:v16+s4+$0x0], $0xffff  }
0x8a: {  	v44 =	vadd.s32 v11, v27;
	v52 =	vld.idx.msk [tilespmem:v29+s4+$0x0], $0xffff;
	[tilespmem:v32+s16+$0x0] =	vst.idx.msk $0xffff, v34;
	v43 =	vadd.f32 v43, v40  }
0x8b: {  	v62 =	vld.idx.msk [tilespmem:v37+s4+$0x0], $0xffff;
	v53 =	vadd.s32 v10, v27;
	[tilespmem:v18+s16+$0x0] =	vst.idx.msk $0xffff, v39;
	v49 =	vadd.f32 v51, v49  }
0x8c: {  	v54 =	vld.idx.msk [tilespmem:v26+s4+$0x0], $0xffff;
	v57 =	vadd.s32 v9, v27;
	v18 =	vadd.s32 v13, v27;
	[tilespmem:v19+s16+$0x0] =	vst.idx.msk $0xffff, v40  }
0x8d: {  	v55 =	vld.idx.msk [tilespmem:v24+s4+$0x0], $0xffff;
	v51 =	vadd.s32 v4, v48;
	v19 =	vadd.s32 v14, v27;
	[tilespmem:v38+s16+$0x0] =	vst.idx.msk $0xffff, v49  }
0x8e: {  	v56 =	vld.idx.msk [tilespmem:v42+s4+$0x0], $0xffff;
	v27 =	vadd.s32 v12, v27;
	v38 =	vadd.s32 v5, v48;
	[tilespmem:v28+s16+$0x0] =	vst.idx.msk $0xffff, v30  }
0x8f: {  	v28 =	vadd.s32 v7, v48;
	[tilespmem:v23+s16+$0x0] =	vst.idx.msk $0xffff, v43;
	v23 =	vadd.s32 v6, v48;
	v48 =	vld.idx.msk [tilespmem:v44+s4+$0x0], $0xffff  }
0x90: {  	v15 =	vadd.f32 v47, v15;
	v50 =	vadd.f32 v50, v45;
	v39 =	vld.idx.msk [tilespmem:v53+s4+$0x0], $0xffff  }
0x91: {  	[tilespmem:v20+s16+$0x0] =	vst.idx.msk $0xffff, v45;
	v60 =	vld.idx.msk [tilespmem:v18+s4+$0x0], $0xffff  }
0x92: {  	v20 =	vadd.f32 v41, v15;
	[tilespmem:v31+s16+$0x0] =	vst.idx.msk $0xffff, v50;
	v31 =	vld.idx.msk [tilespmem:v51+s4+$0x0], $0xffff  }
0x93: {  	[tilespmem:v22+s16+$0x0] =	vst.idx.msk $0xffff, v15;
	v61 =	vld.idx.msk [tilespmem:v27+s4+$0x0], $0xffff  }
0x94: {  	v59 =	vadd.f32 v46, v25;
	v15 =	vadd.f32 v52, v35;
	[tilespmem:v17+s16+$0x0] =	vst.idx.msk $0xffff, v20;
	v17 =	vld.idx.msk [tilespmem:v57+s4+$0x0], $0xffff  }
0x95: {  	[tilespmem:v21+s16+$0x0] =	vst.idx.msk $0xffff, v25;
	v63 =	vld.idx.msk [tilespmem:v38+s4+$0x0], $0xffff  }
0x96: {  	v22 =	vadd.f32 v54, v34;
	v25 =	vadd.f32 v55, v15;
	[tilespmem:v36+s16+$0x0] =	vst.idx.msk $0xffff, v59;
	v58 =	vld.idx.msk [tilespmem:v28+s4+$0x0], $0xffff  }
0x97: {  	v21 =	vld.idx.msk [tilespmem:v23+s4+$0x0], $0xffff;
	[tilespmem:v29+s16+$0x0] =	vst.idx.msk $0xffff, v15  }
0x98: {  	v32 =	vadd.f32 v33, v22;
	v29 =	vld.idx.msk [tilespmem:v19+s4+$0x0], $0xffff;
	[tilespmem:v24+s16+$0x0] =	vst.idx.msk $0xffff, v25  }
0x99: {  	v15 =	vadd.f32 v56, v49;
	[tilespmem:v26+s16+$0x0] =	vst.idx.msk $0xffff, v22  }
0x9a: {  	v62 =	vadd.f32 v62, v30;
	[tilespmem:v16+s16+$0x0] =	vst.idx.msk $0xffff, v32  }
0x9b: {  	v22 =	vadd.f32 v31, v43;
	[tilespmem:v42+s16+$0x0] =	vst.idx.msk $0xffff, v15;
	v31 =	vadd.f32 v17, v15  }
0x9c: {  	[tilespmem:v37+s16+$0x0] =	vst.idx.msk $0xffff, v62  }
0x9d: {  	v30 =	vadd.f32 v39, v62;
	[tilespmem:v57+s16+$0x0] =	vst.idx.msk $0xffff, v31  }
0x9e: {  	v15 =	vadd.f32 v63, v50;
	[tilespmem:v51+s16+$0x0] =	vst.idx.msk $0xffff, v22  }
0x9f: {  	v26 =	vadd.f32 v48, v22;
	[tilespmem:v53+s16+$0x0] =	vst.idx.msk $0xffff, v30  }
0xa0: {  	v24 =	vadd.f32 v61, v15;
	[tilespmem:v38+s16+$0x0] =	vst.idx.msk $0xffff, v15  }
0xa1: {  	v16 =	vadd.f32 v21, v20;
	[tilespmem:v44+s16+$0x0] =	vst.idx.msk $0xffff, v26  }
0xa2: {  	v17 =	vadd.f32 v58, v59;
	[tilespmem:v27+s16+$0x0] =	vst.idx.msk $0xffff, v24  }
0xa3: {  	v15 =	vadd.f32 v60, v16;
	[tilespmem:v23+s16+$0x0] =	vst.idx.msk $0xffff, v16  }
0xa4: {  	v29 =	vadd.f32 v29, v17;
	[tilespmem:v28+s16+$0x0] =	vst.idx.msk $0xffff, v17  }
0xa5: {  	[tilespmem:v18+s16+$0x0] =	vst.idx.msk $0xffff, v15  }
0xa6: {  	s10 =	sadd.s32 s3, s29;
	[tilespmem:v19+s16+$0x0] =	vst.idx.msk $0xffff, v29  }
0xa7: {  	[hbm4b:s10+s4] =	stream.linear.scatter [tilespmem:s16], [sflag:$0x3], $0x400, $0x38;
	[tilespmem:$0x10200] =	vst v63  }
0xa8: {  	s11 =	simm.s32 $0x8508;
	s29 =	sadd.s32 $0x2000, s10  }
0xa9: {  	[hbm4b:s29+s4] =	stream.linear.scatter [tilespmem:s11], [sflag:$0x3], $0x400, $0x38;
	[tilespmem:$0x10200] =	vst v63  }
0xaa: {  	s30 =	simm.s32 $0x8910;
	s11 =	sadd.s32 $0x4000, s10  }
0xab: {  	[hbm4b:s11+s4] =	stream.linear.scatter [tilespmem:s30], [sflag:$0x3], $0x400, $0x38;
	[tilespmem:$0x10200] =	vst v63  }
0xac: {  	s11 =	sadd.s32 $0x6000, s10;
	s30 =	simm.s32 $0x8D18  }
0xad: {  	[hbm4b:s11+s4] =	stream.linear.scatter [tilespmem:s30], [sflag:$0x3], $0x400, $0x38;
	[tilespmem:$0x10200] =	vst v63  }
0xae: {  	s11 =	sadd.s32 $0x8000, s10;
	s30 =	simm.s32 $0x9120  }
0xaf: {  	[hbm4b:s11+s4] =	stream.linear.scatter [tilespmem:s30], [sflag:$0x3], $0x400, $0x38;
	[tilespmem:$0x10200] =	vst v63  }
0xb0: {  	s11 =	sadd.s32 $0xA000, s10;
	s30 =	simm.s32 $0x9528  }
0xb1: {  	[hbm4b:s11+s4] =	stream.linear.scatter [tilespmem:s30], [sflag:$0x3], $0x400, $0x38;
	[tilespmem:$0x10200] =	vst v63  }
0xb2: {  	s11 =	sadd.s32 $0xC000, s10;
	s30 =	simm.s32 $0x9930  }
0xb3: {  	[hbm4b:s11+s4] =	stream.linear.scatter [tilespmem:s30], [sflag:$0x3], $0x400, $0x38;
	[tilespmem:$0x10200] =	vst v63  }
0xb4: {  	s11 =	sadd.s32 $0xE000, s10;
	s30 =	simm.s32 $0x9D38  }
0xb5: {  	[hbm4b:s11+s4] =	stream.linear.scatter [tilespmem:s30], [sflag:$0x3], $0x400, $0x38;
	[tilespmem:$0x10200] =	vst v63  }
0xb6: {  	s11 =	sadd.s32 $0x10000, s10;
	s30 =	simm.s32 $0xA140  }
0xb7: {  	[hbm4b:s11+s4] =	stream.linear.scatter [tilespmem:s30], [sflag:$0x3], $0x400, $0x38;
	[tilespmem:$0x10200] =	vst v63  }
0xb8: {  	s11 =	sadd.s32 $0x12000, s10;
	s30 =	simm.s32 $0xA548  }
0xb9: {  	[hbm4b:s11+s4] =	stream.linear.scatter [tilespmem:s30], [sflag:$0x3], $0x400, $0x38;
	[tilespmem:$0x10200] =	vst v63  }
0xba: {  	s11 =	sadd.s32 $0x14000, s10;
	s30 =	simm.s32 $0xA950  }
0xbb: {  	[hbm4b:s11+s4] =	stream.linear.scatter [tilespmem:s30], [sflag:$0x3], $0x400, $0x38;
	[tilespmem:$0x10200] =	vst v63  }
0xbc: {  	s11 =	sadd.s32 $0x16000, s10;
	s30 =	simm.s32 $0xAD58  }
0xbd: {  	[hbm4b:s11+s4] =	stream.linear.scatter [tilespmem:s30], [sflag:$0x3], $0x400, $0x38;
	[tilespmem:$0x10200] =	vst v63  }
0xbe: {  	s11 =	sadd.s32 $0x18000, s10;
	s30 =	simm.s32 $0xB160  }
0xbf: {  	[hbm4b:s11+s4] =	stream.linear.scatter [tilespmem:s30], [sflag:$0x3], $0x400, $0x38;
	[tilespmem:$0x10200] =	vst v63  }
0xc0: {  	s11 =	sadd.s32 $0x1A000, s10;
	s30 =	simm.s32 $0xB568  }
0xc1: {  	[hbm4b:s11+s4] =	stream.linear.scatter [tilespmem:s30], [sflag:$0x3], $0x400, $0x38;
	[tilespmem:$0x10200] =	vst v63  }
0xc2: {  	s11 =	sadd.s32 $0x1C000, s10;
	s30 =	simm.s32 $0xB970  }
0xc3: {  	[hbm4b:s11+s4] =	stream.linear.scatter [tilespmem:s30], [sflag:$0x3], $0x400, $0x38;
	[tilespmem:$0x10200] =	vst v63  }
0xc4: {  	p0 =	seq.s32 s25, $0x1F;
	s10 =	sadd.s32 $0x1E000, s10;
	s30 =	simm.s32 $0xBD78  }
0xc5: {  	[hbm4b:s10+s4] =	stream.linear.scatter [tilespmem:s30], [sflag:$0x3], $0x400, $0x38;
	[tilespmem:$0x10200] =	vst v63  }
0xc6: {  	s10 =	sadd.s32 @!p0 s7, s28;
	_ =	swait.ge [sflag:s8], $0x4000  }
0xc7: {  	s10 =	sshrl.u32 @!p0 s10, $0x3;
	[sflag:s8] =	ssyncset.done $0x0  }
0xc8: {  	s28 =	simm.s32 @!p0 $0x0;
	s10 =	sadd.s32 @!p0 s2, s10;
	[sflag:s8] =	ssyncadd.s32 $0xFFFFC000  }
0xc9: {  	[tilespmem:s28], [sflag:$0x1] =	stream.linear.gather @!p0 [hbm4b:s10+s28], $0x400, $0x38;
	[tilespmem:$0x10200] =	vst v63  }
0xca: {  	s30 =	simm.s32 @!p0 $0x408;
	s29 =	sadd.s32 @!p0 $0x2000, s10  }
0xcb: {  	[tilespmem:s30], [sflag:$0x1] =	stream.linear.gather @!p0 [hbm4b:s29+s28], $0x400, $0x38;
	[tilespmem:$0x10200] =	vst v63  }
0xcc: {  	s29 =	sadd.s32 @!p0 $0x4000, s10;
	s30 =	simm.s32 @!p0 $0x810  }
0xcd: {  	[tilespmem:s30], [sflag:$0x1] =	stream.linear.gather @!p0 [hbm4b:s29+s28], $0x400, $0x38;
	[tilespmem:$0x10200] =	vst v63  }
0xce: {  	s29 =	sadd.s32 @!p0 $0x6000, s10;
	s30 =	simm.s32 @!p0 $0xC18  }
0xcf: {  	[tilespmem:s30], [sflag:$0x1] =	stream.linear.gather @!p0 [hbm4b:s29+s28], $0x400, $0x38;
	[tilespmem:$0x10200] =	vst v63  }
0xd0: {  	s29 =	sadd.s32 @!p0 $0x8000, s10;
	s30 =	simm.s32 @!p0 $0x1020  }
0xd1: {  	[tilespmem:s30], [sflag:$0x1] =	stream.linear.gather @!p0 [hbm4b:s29+s28], $0x400, $0x38;
	[tilespmem:$0x10200] =	vst v63  }
0xd2: {  	s29 =	sadd.s32 @!p0 $0xA000, s10;
	s30 =	simm.s32 @!p0 $0x1428  }
0xd3: {  	[tilespmem:s30], [sflag:$0x1] =	stream.linear.gather @!p0 [hbm4b:s29+s28], $0x400, $0x38;
	[tilespmem:$0x10200] =	vst v63  }
0xd4: {  	s29 =	sadd.s32 @!p0 $0xC000, s10;
	s30 =	simm.s32 @!p0 $0x1830  }
0xd5: {  	[tilespmem:s30], [sflag:$0x1] =	stream.linear.gather @!p0 [hbm4b:s29+s28], $0x400, $0x38;
	[tilespmem:$0x10200] =	vst v63  }
0xd6: {  	s29 =	sadd.s32 @!p0 $0xE000, s10;
	s30 =	simm.s32 @!p0 $0x1C38  }
0xd7: {  	[tilespmem:s30], [sflag:$0x1] =	stream.linear.gather @!p0 [hbm4b:s29+s28], $0x400, $0x38;
	[tilespmem:$0x10200] =	vst v63  }
0xd8: {  	s29 =	sadd.s32 @!p0 $0x10000, s10;
	s30 =	simm.s32 @!p0 $0x2040  }
0xd9: {  	[tilespmem:s30], [sflag:$0x1] =	stream.linear.gather @!p0 [hbm4b:s29+s28], $0x400, $0x38;
	[tilespmem:$0x10200] =	vst v63  }
0xda: {  	s29 =	sadd.s32 @!p0 $0x12000, s10;
	s30 =	simm.s32 @!p0 $0x2448  }
0xdb: {  	[tilespmem:s30], [sflag:$0x1] =	stream.linear.gather @!p0 [hbm4b:s29+s28], $0x400, $0x38;
	[tilespmem:$0x10200] =	vst v63  }
0xdc: {  	s29 =	sadd.s32 @!p0 $0x14000, s10;
	s30 =	simm.s32 @!p0 $0x2850  }
0xdd: {  	[tilespmem:s30], [sflag:$0x1] =	stream.linear.gather @!p0 [hbm4b:s29+s28], $0x400, $0x38;
	[tilespmem:$0x10200] =	vst v63  }
0xde: {  	s29 =	sadd.s32 @!p0 $0x16000, s10;
	s30 =	simm.s32 @!p0 $0x2C58  }
0xdf: {  	[tilespmem:s30], [sflag:$0x1] =	stream.linear.gather @!p0 [hbm4b:s29+s28], $0x400, $0x38;
	[tilespmem:$0x10200] =	vst v63  }
0xe0: {  	s29 =	sadd.s32 @!p0 $0x18000, s10;
	s30 =	simm.s32 @!p0 $0x3060  }
0xe1: {  	[tilespmem:s30], [sflag:$0x1] =	stream.linear.gather @!p0 [hbm4b:s29+s28], $0x400, $0x38;
	[tilespmem:$0x10200] =	vst v63  }
0xe2: {  	s29 =	sadd.s32 @!p0 $0x1A000, s10;
	s30 =	simm.s32 @!p0 $0x3468  }
0xe3: {  	[tilespmem:s30], [sflag:$0x1] =	stream.linear.gather @!p0 [hbm4b:s29+s28], $0x400, $0x38;
	[tilespmem:$0x10200] =	vst v63  }
0xe4: {  	s29 =	sadd.s32 @!p0 $0x1C000, s10;
	s30 =	simm.s32 @!p0 $0x3870  }
0xe5: {  	[tilespmem:s30], [sflag:$0x1] =	stream.linear.gather @!p0 [hbm4b:s29+s28], $0x400, $0x38;
	[tilespmem:$0x10200] =	vst v63  }
0xe6: {  	p1 =	seq.s32 @!p0 s25, $0x0;
	v16 =	vimm.s32 $0x0;
	s10 =	sadd.s32 @!p0 $0x1E000, s10;
	s29 =	simm.s32 @!p0 $0x3C78  }
0xe7: {  	v35 =	vadd.s32 v8, v16;
	v22 =	vand.u32 $0xFFFFFFFE, v16;
	[tilespmem:s29], [sflag:$0x1] =	stream.linear.gather @!p0 [hbm4b:s10+s28], $0x400, $0x38;
	[tilespmem:$0x10200] =	vst v63  }
0xe8: {  	v37 =	vadd.s32 v0, v22;
	p0 =	por p0, !p1  }
0xe9: {  	v21 =	vadd.s32 v3, v22;
	_ =	swait.ge @p0 [sflag:s24], $0x4000  }
0xea: {  	v42 =	vadd.s32 v1, v22;
	[sflag:s24] =	ssyncset.done @p0 $0x0  }
0xeb: {  	v45 =	vor.u32 $0x1, v37;
	[sflag:s24] =	ssyncadd.s32 @p0 $0xFFFFC000  }
0xec: {  	v52 =	vadd.s32 v2, v22;
	v40 =	vld.idx.msk [tilespmem:v35+s0+$0x0], $0xffff  }
0xed: {  	v23 =	vadd.s32 v11, v16;
	v27 =	vld.idx.msk [tilespmem:v37+s0+$0x0], $0xffff  }
0xee: {  	v18 =	vadd.s32 v4, v22;
	v39 =	vld.idx.msk [tilespmem:v21+s0+$0x0], $0xffff  }
0xef: {  	v28 =	vadd.s32 v10, v16;
	v63 =	vld.idx.msk [tilespmem:v42+s0+$0x0], $0xffff  }
0xf0: {  	v19 =	vadd.s32 v5, v22;
	v57 =	vld.idx.msk [tilespmem:v45+s0+$0x0], $0xffff  }
0xf1: {  	v20 =	vadd.s32 v7, v22;
	v58 =	vld.idx.msk [tilespmem:v52+s0+$0x0], $0xffff  }
0xf2: {  	v17 =	vadd.s32 v13, v16;
	v43 =	vld.idx.msk [tilespmem:v23+s0+$0x0], $0xffff  }
0xf3: {  	v22 =	vadd.s32 v6, v22;
	v59 =	vld.idx.msk [tilespmem:v18+s0+$0x0], $0xffff  }
0xf4: {  	v36 =	vadd.s32 v14, v16;
	v60 =	vld.idx.msk [tilespmem:v28+s0+$0x0], $0xffff  }
0xf5: {  	v38 =	vadd.s32 v9, v16;
	v61 =	vld.idx.msk [tilespmem:v19+s0+$0x0], $0xffff  }
0xf6: {  	v62 =	vld.idx.msk [tilespmem:v20+s0+$0x0], $0xffff  }
0xf7: {  	v33 =	vadd.s32 v12, v16;
	v41 =	vld.idx.msk [tilespmem:v17+s0+$0x0], $0xffff  }
0xf8: {  	v47 =	vld.idx.msk [tilespmem:v22+s0+$0x0], $0xffff;
	v25 =	vadd.f32 v27, v25;
	v63 =	vadd.f32 v63, v32  }
0xf9: {  	v46 =	vld.idx.msk [tilespmem:v36+s0+$0x0], $0xffff;
	v27 =	vadd.s32 $0x2, v16;
	v49 =	vadd.f32 v58, v31;
	v39 =	vadd.f32 v39, v30  }
0xfa: {  	v51 =	vld.idx.msk [tilespmem:v38+s0+$0x0], $0xffff;
	v16 =	vadd.s32 v8, v27;
	v34 =	vadd.f32 v57, v25;
	v32 =	vadd.f32 v40, v63  }
0xfb: {  	v48 =	vand.u32 $0xFFFFFFFE, v27;
	[tilespmem:v37+s9+$0x0] =	vst.idx.msk $0xffff, v25;
	v40 =	vadd.f32 v59, v26;
	v31 =	vadd.f32 v60, v39  }
0xfc: {  	v50 =	vld.idx.msk [tilespmem:v33+s0+$0x0], $0xffff;
	v30 =	vadd.s32 v0, v48;
	v26 =	vadd.s32 v1, v48;
	[tilespmem:v42+s9+$0x0] =	vst.idx.msk $0xffff, v63  }
0xfd: {  	v44 =	vadd.s32 $0x2, v27;
	v37 =	vadd.s32 v3, v48;
	v42 =	vadd.s32 v2, v48;
	[tilespmem:v45+s9+$0x0] =	vst.idx.msk $0xffff, v34  }
0xfe: {  	s28 =	simm.s32 $0x2;
	v25 =	vor.u32 $0x1, v30;
	v45 =	vadd.f32 v61, v24;
	v24 =	vadd.f32 v62, v29;
	[tilespmem:v52+s9+$0x0] =	vst.idx.msk $0xffff, v49  }
.LBB2_5:
0xff: {  	v29 =	vadd.s32 v8, v44;
	s28 =	sadd.s32 $0x2, s28;
	v47 =	vadd.f32 v47, v15;
	v52 =	vadd.f32 v43, v40;
	v53 =	vmovc v36  }
0x100: {  	v36 =	vadd.s32 v11, v27;
	p0 =	slt.u32 s28, $0x7E;
	v54 =	vld.idx.msk [tilespmem:v16+s0+$0x0], $0xffff;
	v55 =	vadd.f32 v46, v24;
	[tilespmem:v35+s9+$0x0] =	vst.idx.msk $0xffff, v32  }
0x101: {  	v56 =	vadd.s32 v4, v48;
	v43 =	vadd.s32 v9, v27;
	v49 =	vadd.f32 v51, v49;
	v46 =	vld.idx.msk [tilespmem:v30+s0+$0x0], $0xffff  }
0x102: {  	v57 =	vadd.s32 v5, v48;
	v58 =	vadd.s32 v10, v27;
	v59 =	vadd.f32 v50, v45;
	v51 =	vld.idx.msk [tilespmem:v37+s0+$0x0], $0xffff  }
0x103: {  	v60 =	vadd.s32 v6, v48;
	v48 =	vadd.s32 v7, v48;
	v50 =	vld.idx.msk [tilespmem:v26+s0+$0x0], $0xffff;
	[tilespmem:v38+s9+$0x0] =	vst.idx.msk $0xffff, v49  }
0x104: {  	v35 =	vmov v16;
	v16 =	vmov v29;
	v15 =	vadd.f32 v41, v47;
	v61 =	vld.idx.msk [tilespmem:v25+s0+$0x0], $0xffff;
	[tilespmem:v28+s9+$0x0] =	vst.idx.msk $0xffff, v31  }
0x105: {  	v62 =	vmovc v42;
	v38 =	vmov v43;
	v28 =	vmov v58;
	v29 =	vld.idx.msk [tilespmem:v42+s0+$0x0], $0xffff;
	[tilespmem:v23+s9+$0x0] =	vst.idx.msk $0xffff, v52;
	v23 =	vmov v36  }
0x106: {  	v42 =	vadd.s32 v13, v27;
	v43 =	vld.idx.msk [tilespmem:v36+s0+$0x0], $0xffff;
	[tilespmem:v33+s9+$0x0] =	vst.idx.msk $0xffff, v59  }
0x107: {  	v46 =	vadd.f32 v46, v34;
	v33 =	vadd.s32 v12, v27;
	v63 =	vld.idx.msk [tilespmem:v56+s0+$0x0], $0xffff;
	[tilespmem:v21+s9+$0x0] =	vst.idx.msk $0xffff, v39  }
0x108: {  	v36 =	vadd.s32 v14, v27;
	v21 =	vmov v37;
	v58 =	vld.idx.msk [tilespmem:v58+s0+$0x0], $0xffff;
	[tilespmem:v18+s9+$0x0] =	vst.idx.msk $0xffff, v40;
	v18 =	vmov v56  }
0x109: {  	v27 =	vmov v44;
	v37 =	vadd.f32 v50, v32;
	v56 =	vld.idx.msk [tilespmem:v57+s0+$0x0], $0xffff;
	[tilespmem:v19+s9+$0x0] =	vst.idx.msk $0xffff, v45;
	v19 =	vmov v57  }
0x10a: {  	v34 =	vadd.f32 v61, v46;
	v57 =	vld.idx.msk [tilespmem:v48+s0+$0x0], $0xffff;
	[tilespmem:v22+s9+$0x0] =	vst.idx.msk $0xffff, v47;
	v22 =	vmov v60  }
0x10b: {  	v39 =	vadd.f32 v51, v31;
	v49 =	vadd.f32 v29, v49;
	v41 =	vld.idx.msk [tilespmem:v42+s0+$0x0], $0xffff;
	[tilespmem:v20+s9+$0x0] =	vst.idx.msk $0xffff, v24  }
0x10c: {  	v32 =	vadd.f32 v54, v37;
	v20 =	vmov v48;
	v47 =	vld.idx.msk [tilespmem:v60+s0+$0x0], $0xffff;
	[tilespmem:v17+s9+$0x0] =	vst.idx.msk $0xffff, v15;
	v17 =	vmov v42  }
.Ltmp1:
0x10d: {  	v40 =	vadd.f32 v63, v52;
	[tilespmem:v30+s9+$0x0] =	vst.idx.msk $0xffff, v46;
	v46 =	vld.idx.msk [tilespmem:v36+s0+$0x0], $0xffff;
	(pc) =	sbr.rel @p0 .LBB2_5-.Ltmp1, $4  }
0x10e: {  	v48 =	vand.u32 $0xFFFFFFFE, v44;
	v31 =	vadd.f32 v58, v39;
	[tilespmem:v26+s9+$0x0] =	vst.idx.msk $0xffff, v37;
	v51 =	vld.idx.msk [tilespmem:v38+s0+$0x0], $0xffff  }
0x10f: {  	v30 =	vadd.s32 v0, v48;
	v26 =	vadd.s32 v1, v48;
	v50 =	vld.idx.msk [tilespmem:v33+s0+$0x0], $0xffff;
	[tilespmem:v53+s9+$0x0] =	vst.idx.msk $0xffff, v55  }
0x110: {  	v44 =	vadd.s32 $0x2, v44;
	v42 =	vadd.s32 v2, v48;
	v37 =	vadd.s32 v3, v48;
	[tilespmem:v25+s9+$0x0] =	vst.idx.msk $0xffff, v34  }
0x111: {  	v45 =	vadd.f32 v56, v59;
	v24 =	vadd.f32 v57, v55;
	v25 =	vor.u32 $0x1, v30;
	[tilespmem:v62+s9+$0x0] =	vst.idx.msk $0xffff, v49  }
0x112: {  	_ =	sdelay $0x3  }
0x113: {  	v29 =	vld.idx.msk [tilespmem:v16+s0+$0x0], $0xffff  }
0x114: {  	v44 =	vadd.s32 v11, v27;
	v52 =	vld.idx.msk [tilespmem:v30+s0+$0x0], $0xffff;
	[tilespmem:v35+s9+$0x0] =	vst.idx.msk $0xffff, v32  }
0x115: {  	v35 =	vadd.s32 v4, v48;
	v63 =	vld.idx.msk [tilespmem:v37+s0+$0x0], $0xffff;
	[tilespmem:v21+s9+$0x0] =	vst.idx.msk $0xffff, v39;
	v49 =	vadd.f32 v51, v49  }
0x116: {  	v53 =	vadd.s32 v10, v27;
	v54 =	vld.idx.msk [tilespmem:v26+s0+$0x0], $0xffff;
	[tilespmem:v18+s9+$0x0] =	vst.idx.msk $0xffff, v40  }
0x117: {  	v43 =	vadd.f32 v43, v40;
	v55 =	vld.idx.msk [tilespmem:v25+s0+$0x0], $0xffff;
	v21 =	vadd.s32 v13, v27;
	[tilespmem:v38+s9+$0x0] =	vst.idx.msk $0xffff, v49  }
0x118: {  	v56 =	vld.idx.msk [tilespmem:v42+s0+$0x0], $0xffff;
	v50 =	vadd.f32 v50, v45;
	v38 =	vadd.s32 v5, v48;
	[tilespmem:v28+s9+$0x0] =	vst.idx.msk $0xffff, v31  }
0x119: {  	v28 =	vadd.s32 v7, v48;
	[tilespmem:v23+s9+$0x0] =	vst.idx.msk $0xffff, v43;
	v23 =	vadd.s32 v6, v48;
	v48 =	vld.idx.msk [tilespmem:v44+s0+$0x0], $0xffff  }
0x11a: {  	v15 =	vadd.f32 v47, v15;
	[tilespmem:v19+s9+$0x0] =	vst.idx.msk $0xffff, v45;
	v57 =	vld.idx.msk [tilespmem:v35+s0+$0x0], $0xffff  }
0x11b: {  	v39 =	vld.idx.msk [tilespmem:v53+s0+$0x0], $0xffff;
	[tilespmem:v33+s9+$0x0] =	vst.idx.msk $0xffff, v50;
	v33 =	vadd.s32 v9, v27  }
0x11c: {  	v18 =	vadd.s32 v14, v27;
	v19 =	vadd.f32 v41, v15;
	[tilespmem:v22+s9+$0x0] =	vst.idx.msk $0xffff, v15;
	v60 =	vld.idx.msk [tilespmem:v21+s0+$0x0], $0xffff  }
0x11d: {  	v59 =	vadd.f32 v46, v24;
	v41 =	vadd.s32 v12, v27;
	[tilespmem:v20+s9+$0x0] =	vst.idx.msk $0xffff, v24;
	v40 =	vld.idx.msk [tilespmem:v38+s0+$0x0], $0xffff  }
0x11e: {  	v15 =	vadd.f32 v52, v34;
	[tilespmem:v17+s9+$0x0] =	vst.idx.msk $0xffff, v19;
	v45 =	vld.idx.msk [tilespmem:v28+s0+$0x0], $0xffff  }
0x11f: {  	v58 =	vadd.f32 v54, v32;
	[tilespmem:v36+s9+$0x0] =	vst.idx.msk $0xffff, v59;
	v52 =	vld.idx.msk [tilespmem:v23+s0+$0x0], $0xffff  }
0x120: {  	v27 =	vadd.f32 v55, v15;
	[tilespmem:v30+s9+$0x0] =	vst.idx.msk $0xffff, v15;
	v17 =	vld.idx.msk [tilespmem:v33+s0+$0x0], $0xffff  }
0x121: {  	v61 =	vld.idx.msk [tilespmem:v18+s0+$0x0], $0xffff;
	v15 =	vadd.f32 v56, v49;
	[tilespmem:v26+s9+$0x0] =	vst.idx.msk $0xffff, v58  }
0x122: {  	v62 =	vld.idx.msk [tilespmem:v41+s0+$0x0], $0xffff;
	v30 =	vadd.f32 v29, v58;
	[tilespmem:v25+s9+$0x0] =	vst.idx.msk $0xffff, v27  }
0x123: {  	v31 =	vadd.f32 v63, v31;
	[tilespmem:v42+s9+$0x0] =	vst.idx.msk $0xffff, v15  }
0x124: {  	v63 =	vadd.f32 v57, v43;
	[tilespmem:v16+s9+$0x0] =	vst.idx.msk $0xffff, v30  }
0x125: {  	[tilespmem:v37+s9+$0x0] =	vst.idx.msk $0xffff, v31;
	v29 =	vadd.f32 v17, v15  }
0x126: {  	[tilespmem:v35+s9+$0x0] =	vst.idx.msk $0xffff, v63;
	v15 =	vadd.f32 v40, v50  }
0x127: {  	v26 =	vadd.f32 v39, v31;
	[tilespmem:v33+s9+$0x0] =	vst.idx.msk $0xffff, v29  }
0x128: {  	v16 =	vadd.f32 v52, v19;
	[tilespmem:v38+s9+$0x0] =	vst.idx.msk $0xffff, v15  }
0x129: {  	v24 =	vadd.f32 v48, v63;
	[tilespmem:v53+s9+$0x0] =	vst.idx.msk $0xffff, v26  }
0x12a: {  	v17 =	vadd.f32 v45, v59;
	[tilespmem:v23+s9+$0x0] =	vst.idx.msk $0xffff, v16  }
0x12b: {  	v25 =	vadd.f32 v62, v15;
	[tilespmem:v44+s9+$0x0] =	vst.idx.msk $0xffff, v24  }
0x12c: {  	v15 =	vadd.f32 v60, v16;
	[tilespmem:v28+s9+$0x0] =	vst.idx.msk $0xffff, v17  }
0x12d: {  	v33 =	vadd.f32 v61, v17;
	[tilespmem:v41+s9+$0x0] =	vst.idx.msk $0xffff, v25  }
0x12e: {  	[tilespmem:v21+s9+$0x0] =	vst.idx.msk $0xffff, v15  }
0x12f: {  	s10 =	sadd.s32 s3, s26;
	[tilespmem:v18+s9+$0x0] =	vst.idx.msk $0xffff, v33  }
0x130: {  	[hbm4b:s10+s4] =	stream.linear.scatter [tilespmem:s9], [sflag:$0x4], $0x400, $0x38;
	[tilespmem:$0x10200] =	vst v63  }
0x131: {  	s11 =	simm.s32 $0xC588;
	s26 =	sadd.s32 $0x2000, s10  }
0x132: {  	[hbm4b:s26+s4] =	stream.linear.scatter [tilespmem:s11], [sflag:$0x4], $0x400, $0x38;
	[tilespmem:$0x10200] =	vst v63  }
0x133: {  	s30 =	simm.s32 $0xC990;
	s29 =	sadd.s32 $0x4000, s10  }
0x134: {  	[hbm4b:s29+s4] =	stream.linear.scatter [tilespmem:s30], [sflag:$0x4], $0x400, $0x38;
	[tilespmem:$0x10200] =	vst v63  }
0x135: {  	s11 =	sadd.s32 $0x6000, s10  }
0x136: {  	[hbm4b:s11+s4] =	stream.linear.scatter [tilespmem:s12], [sflag:$0x4], $0x400, $0x38;
	[tilespmem:$0x10200] =	vst v63  }
0x137: {  	s28 =	sadd.s32 $0x8000, s10  }
0x138: {  	[hbm4b:s28+s4] =	stream.linear.scatter [tilespmem:s13], [sflag:$0x4], $0x400, $0x38;
	[tilespmem:$0x10200] =	vst v63  }
0x139: {  	s29 =	sadd.s32 $0xA000, s10  }
0x13a: {  	[hbm4b:s29+s4] =	stream.linear.scatter [tilespmem:s14], [sflag:$0x4], $0x400, $0x38;
	[tilespmem:$0x10200] =	vst v63  }
0x13b: {  	s30 =	sadd.s32 $0xC000, s10  }
0x13c: {  	[hbm4b:s30+s4] =	stream.linear.scatter [tilespmem:s15], [sflag:$0x4], $0x400, $0x38;
	[tilespmem:$0x10200] =	vst v63  }
0x13d: {  	s11 =	sadd.s32 $0xE000, s10  }
0x13e: {  	[hbm4b:s11+s4] =	stream.linear.scatter [tilespmem:s17], [sflag:$0x4], $0x400, $0x38;
	[tilespmem:$0x10200] =	vst v63  }
0x13f: {  	s28 =	sadd.s32 $0x10000, s10  }
0x140: {  	[hbm4b:s28+s4] =	stream.linear.scatter [tilespmem:s18], [sflag:$0x4], $0x400, $0x38;
	[tilespmem:$0x10200] =	vst v63  }
0x141: {  	s29 =	sadd.s32 $0x12000, s10  }
0x142: {  	[hbm4b:s29+s4] =	stream.linear.scatter [tilespmem:s19], [sflag:$0x4], $0x400, $0x38;
	[tilespmem:$0x10200] =	vst v63  }
0x143: {  	s30 =	sadd.s32 $0x14000, s10  }
0x144: {  	[hbm4b:s30+s4] =	stream.linear.scatter [tilespmem:s20], [sflag:$0x4], $0x400, $0x38;
	[tilespmem:$0x10200] =	vst v63  }
0x145: {  	s11 =	sadd.s32 $0x16000, s10  }
0x146: {  	[hbm4b:s11+s4] =	stream.linear.scatter [tilespmem:s21], [sflag:$0x4], $0x400, $0x38;
	[tilespmem:$0x10200] =	vst v63  }
0x147: {  	s25 =	sadd.s32 $0x1, s25;
	s28 =	sadd.s32 $0x18000, s10  }
0x148: {  	[hbm4b:s28+s4] =	stream.linear.scatter [tilespmem:s22], [sflag:$0x4], $0x400, $0x38;
	[tilespmem:$0x10200] =	vst v63  }
0x149: {  	p0 =	sne.s32 s25, $0x20;
	s29 =	sadd.s32 $0x1A000, s10  }
0x14a: {  	[hbm4b:s29+s4] =	stream.linear.scatter [tilespmem:s23], [sflag:$0x4], $0x400, $0x38;
	[tilespmem:$0x10200] =	vst v63  }
.Ltmp2:
0x14b: {  	_ = 	snop;
	(pc) =	sbr.rel @p0 .LBB2_2-.Ltmp2, $4  }
0x14c: {  	s30 =	sadd.s32 $0x1C000, s10  }
0x14d: {  	[hbm4b:s30+s4] =	stream.linear.scatter [tilespmem:s6], [sflag:$0x4], $0x400, $0x38;
	[tilespmem:$0x10200] =	vst v63  }
0x14e: {  	s10 =	sadd.s32 $0x1E000, s10  }
0x14f: {  	[hbm4b:s10+s4] =	stream.linear.scatter [tilespmem:s1], [sflag:$0x4], $0x400, $0x38;
	[tilespmem:$0x10200] =	vst v63  }
0x150: {  	s10 =	simm.s32 $0x3  }
0x151: {  	_ =	swait.ge [sflag:s10], $0x4000  }
0x152: {  	[sflag:s10] =	ssyncset.done $0x0  }
0x153: {  	[sflag:s10] =	ssyncadd.s32 $0xFFFFC000  }
0x154: {  	_ =	swait.ge [sflag:s24], $0x4000  }
0x155: {  	s11 =	rddreg [dreg:$0x14]  }
0x156: {  	s30 =	rddreg [dreg:$0x4];
	s11 =	sadd.s32 $0x1, s11  }
0x157: {  	p0 =	sne.s32 s11, s30  }
.Ltmp3:
0x158: {  	_ = 	snop;
	(pc) =	sbr.rel @p0 .LBB2_1-.Ltmp3, $3  }
0x159: {  	_ =	sdelay $0x1  }
0x15a: {  	[sflag:s24] =	ssyncset.done $0x0  }
0x15b: {  	[sflag:s24] =	ssyncadd.s32 $0xFFFFC000  }
0x15c: {  	_ =	sfence.sel $0x180000  }
0x15d: {  	[bflag:$0x0] =	sbarrier.arrive $0xFFFF  }
0x15e: {  	_ =	strace $0x90000047  }
0x15f: {  	s0 =	stileid.u32;
	[bflag:$0x2] =	sbarrier.arrive $0xFFFF  }
0x160: {  	p0 =	sne.s32 s0, $0x0;
	s0 =	rddreg [dreg:$0x2]  }
0x161: {  	s0 =	sadd.s32 @!p0 $0x100000, s0  }
0x162: {  	[sflag:s0] =	ssyncadd.tile.s32 @!p0 $0x1;
	_ =	shalt  }
.Lfunc_end2:
_tile_overlayer_lowered:
.L_overlay_start_2:
0x163: {  	(tag) =	ssettag $0x2  }
0x164: {  	s0 =	rddreg [dreg:$0x0];
	s2 =	stileid.u32  }
0x165: {  	s1 =	rddreg [dreg:$0x1];
	p0 =	sne.s32 s2, $0x0  }
0x166: {  	s3 =	rddreg [dreg:$0x2];
	[bflag:$0x3] =	sbarrier.arrive $0xFFFF;
	s2 =	simm.s32 @!p0 $0x1C05  }
0x167: {  	[timem:s3], [sflag:s2] =	dma.local @!p0 [hbm:s0], s1  }
0x168: {  	s0 =	simm.s32 @!p0 $0x5  }
0x169: {  	_ =	swait.ge @!p0 [sflag:s0], s1  }
0x16a: {  	s1 =	ssub.s32 @!p0 $0x0, s1;
	[sflag:s0] =	ssyncset.done @!p0 $0x0  }
0x16b: {  	[sflag:s0] =	ssyncadd.s32 @!p0 s1  }
0x16c: {  	[bflag:$0x3] =	sbarrier.arrive $0xFFFF  }
0x16d: {  	_ =	shalt  }

</sc_bundles>
